<compile_context>
chip_gen: v7x
topology: tpu7x:2x2x1
jax: 0.10.2.dev20260603
libtpu: 0.0.44.dev20260713+nightly
codegen_flags: <defaults>
</compile_context>

<pallas_src>
import functools

import jax
import jax.numpy as jnp
from jax import lax
from jax.experimental import pallas as pl
from jax.experimental.pallas import tpu as pltpu
from jax.experimental.pallas import tpu_sc as plsc

BATCH = 16384
EMBED = 32
NC = 2
NS = 16
NW = NC * NS
BPW = BATCH // NW
NCHUNK = 4
CHUNK = BPW // NCHUNK
GROUPS = BPW // 16


def _body(uids_hbm, mids_hbm, uemb_hbm, memb_hbm, ubias_hbm, mbias_hbm,
          out_hbm, uids_v, mids_v, urows_v, mrows_v, ub_v, mb_v, out_v, sem):
    wid = lax.axis_index("s") * NC + lax.axis_index("c")
    base = wid * BPW

    for j in range(NCHUNK):
        pltpu.sync_copy(uids_hbm.at[pl.ds(base + j * CHUNK, CHUNK)],
                        uids_v.at[j])
        pltpu.sync_copy(mids_hbm.at[pl.ds(base + j * CHUNK, CHUNK)],
                        mids_v.at[j])

    copies = []
    for j in range(NCHUNK):
        lo = j * CHUNK
        copies.append(pltpu.async_copy(
            uemb_hbm.at[uids_v.at[j]], urows_v.at[pl.ds(lo, CHUNK)], sem))
        copies.append(pltpu.async_copy(
            memb_hbm.at[mids_v.at[j]], mrows_v.at[pl.ds(lo, CHUNK)], sem))
        copies.append(pltpu.async_copy(
            ubias_hbm.at[uids_v.at[j]], ub_v.at[pl.ds(lo, CHUNK)], sem))
        copies.append(pltpu.async_copy(
            mbias_hbm.at[mids_v.at[j]], mb_v.at[pl.ds(lo, CHUNK)], sem))
    for c in copies:
        c.wait()

    iota16 = lax.iota(jnp.int32, 16)

    def group(g, carry):
        b16 = g * 16
        acc = ub_v[pl.ds(b16, 16)] + mb_v[pl.ds(b16, 16)]
        for i in range(16):
            r = b16 + i
            u0 = urows_v[r, pl.ds(0, 16)]
            u1 = urows_v[r, pl.ds(16, 16)]
            m0 = mrows_v[r, pl.ds(0, 16)]
            m1 = mrows_v[r, pl.ds(16, 16)]
            s = u0 * m0 + u1 * m1
            acc = acc + jnp.where(iota16 == i, jnp.sum(s), 0.0)
        out_v[pl.ds(b16, 16)] = acc
        return carry

    lax.fori_loop(0, GROUPS, group, 0)

    pltpu.sync_copy(out_v, out_hbm.at[pl.ds(base, BPW)])


@jax.jit
def _run(uids, mids, uemb, memb, ubias, mbias):
    mesh = plsc.VectorSubcoreMesh(core_axis_name="c", subcore_axis_name="s")
    f = functools.partial(
        pl.kernel,
        mesh=mesh,
        compiler_params=pltpu.CompilerParams(
            needs_layout_passes=False, use_tc_tiling_on_sc=False),
        out_type=jax.ShapeDtypeStruct((BATCH,), jnp.float32),
        scratch_types=[
            pltpu.VMEM((NCHUNK, CHUNK), jnp.int32),
            pltpu.VMEM((NCHUNK, CHUNK), jnp.int32),
            pltpu.VMEM((BPW, EMBED), jnp.float32),
            pltpu.VMEM((BPW, EMBED), jnp.float32),
            pltpu.VMEM((BPW,), jnp.float32),
            pltpu.VMEM((BPW,), jnp.float32),
            pltpu.VMEM((BPW,), jnp.float32),
            pltpu.SemaphoreType.DMA,
        ],
    )(_body)
    return f(uids, mids, uemb, memb, ubias, mbias)


def kernel(user_ids, movie_ids, user_embedding, movie_embedding,
           user_bias, movie_bias):
    uids = user_ids.astype(jnp.int32)
    mids = movie_ids.astype(jnp.int32)
    ubias = user_bias.reshape(-1)
    mbias = movie_bias.reshape(-1)
    return _run(uids, mids, user_embedding, movie_embedding, ubias, mbias)

# --- scband reference (transcript-rebuilt; emitter-appended) ---
"""Pipeline reference for scband-recommender-19164144075127 (READ-ONLY COPY).

The authoritative reference and input builder live on the scoring server;
editing this copy changes nothing except your own understanding.
"""

import jax, jax.numpy as jnp
import numpy as np

N_USERS = 1000000
N_MOVIES = 100000
EMBED_DIM = 32
BATCH = 16384


def setup_inputs(seed: int = 0) -> dict:
    key = jax.random.key(seed)
    k1, k2, k3, k4 = jax.random.split(key, 4)
    user_ids = jax.random.randint(k1, (BATCH,), 0, N_USERS, dtype=jnp.int64 if jax.config.jax_enable_x64 else jnp.int32)
    movie_ids = jax.random.randint(k2, (BATCH,), 0, N_MOVIES, dtype=jnp.int64 if jax.config.jax_enable_x64 else jnp.int32)
    user_embedding = jax.random.normal(k3, (N_USERS, EMBED_DIM), dtype=jnp.float32) * 0.1
    movie_embedding = jax.random.normal(k4, (N_MOVIES, EMBED_DIM), dtype=jnp.float32) * 0.1
    user_bias = jnp.zeros((N_USERS, 1), dtype=jnp.float32)
    movie_bias = jnp.zeros((N_MOVIES, 1), dtype=jnp.float32)
    return {
        "user_ids": user_ids,
        "movie_ids": movie_ids,
        "user_embedding": user_embedding,
        "movie_embedding": movie_embedding,
        "user_bias": user_bias,
        "movie_bias": movie_bias,
    }


def reference(user_ids, movie_ids, user_embedding, movie_embedding, user_bias, movie_bias):
    user_vecs = jnp.take(user_embedding, user_ids, axis=0)
    movie_vecs = jnp.take(movie_embedding, movie_ids, axis=0)
    dot = jnp.sum(user_vecs * movie_vecs, axis=1, keepdims=True)
    preds = dot + jnp.take(user_bias, user_ids, axis=0) + jnp.take(movie_bias, movie_ids, axis=0)
    return jnp.squeeze(preds)

if __name__ == "__main__":
    import jax
    _d = setup_inputs()
    print(jax.jit(kernel)(*tuple(_d.values())))

</pallas_src>

<mosaic_0001>
#map = affine_map<(d0, d1) -> (0)>
#map1 = affine_map<(d0, d1) -> (0, 0)>
module attributes {stable_mosaic.version = 14 : i64} {
  func.func @_body(%arg0: i32, %arg1: i32, %arg2: memref<16384xi32, #tpu.memory_space<hbm>>, %arg3: memref<16384xi32, #tpu.memory_space<hbm>>, %arg4: memref<1000000x32xf32, #tpu.memory_space<hbm>>, %arg5: memref<100000x32xf32, #tpu.memory_space<hbm>>, %arg6: memref<1000000xf32, #tpu.memory_space<hbm>>, %arg7: memref<100000xf32, #tpu.memory_space<hbm>>, %arg8: memref<16384xf32, #tpu.memory_space<hbm>>, %arg9: memref<4x128xi32, #tpu.memory_space<vmem>>, %arg10: memref<4x128xi32, #tpu.memory_space<vmem>>, %arg11: memref<512x32xf32, #tpu.memory_space<vmem>>, %arg12: memref<512x32xf32, #tpu.memory_space<vmem>>, %arg13: memref<512xf32, #tpu.memory_space<vmem>>, %arg14: memref<512xf32, #tpu.memory_space<vmem>>, %arg15: memref<512xf32, #tpu.memory_space<vmem>>, %arg16: memref<!tpu.dma_semaphore, #tpu.memory_space<semaphore_mem>>) attributes {dimension_semantics = [#tpu.dimension_semantics<core_parallel>, #tpu.dimension_semantics<subcore_parallel>], iteration_bounds = array<i64: 2, 16>, scalar_prefetch = 0 : i64, scratch_operands = 8 : i64, tpu.core_type = #tpu.core_type<sc_vector_subcore>, window_params = [{transform_indices = #map}, {transform_indices = #map}, {transform_indices = #map1}, {transform_indices = #map1}, {transform_indices = #map}, {transform_indices = #map}, {transform_indices = #map}]} {
    %mul3A = arith.constant 2 : i32
    %mul3A_0 = arith.muli %arg1, %mul3A : i32
    %add3A = arith.addi %mul3A_0, %arg0 : i32
    %mul3A_1 = arith.constant 512 : i32
    %mul3A_2 = arith.muli %add3A, %mul3A_1 : i32
    %add3A_3 = arith.constant 0 : i32
    %add3A_4 = arith.addi %mul3A_2, %add3A_3 : i32
    %run_scoped3A = arith.constant 0 : i32
    "tpu.region"() ({
      %run_scoped3A_317 = tpu.sem_alloc : memref<!tpu.dma_semaphore, #tpu.memory_space<semaphore_mem>>
      %dma_start3A_318 = arith.constant 0 : i32
      %dma_start3A_319 = tpu.memref_slice %arg9[%run_scoped3A, %dma_start3A_318] : memref<4x128xi32, #tpu.memory_space<vmem>> -> memref<1x128xi32, #tpu.memory_space<vmem>>
      %dma_start3A_320 = tpu.memref_squeeze %dma_start3A_319 : memref<1x128xi32, #tpu.memory_space<vmem>> -> memref<128xi32, #tpu.memory_space<vmem>>
      %dma_start3A_321 = tpu.memref_slice %arg2[%add3A_4] : memref<16384xi32, #tpu.memory_space<hbm>> -> memref<128xi32, #tpu.memory_space<hbm>>
      %dma_start3A_322 = arith.constant 0 : i32
      %dma_start3A_323 = tpu.memref_slice %arg9[%run_scoped3A, %dma_start3A_322] : memref<4x128xi32, #tpu.memory_space<vmem>> -> memref<1x128xi32, #tpu.memory_space<vmem>>
      %dma_start3A_324 = tpu.memref_squeeze %dma_start3A_323 : memref<1x128xi32, #tpu.memory_space<vmem>> -> memref<128xi32, #tpu.memory_space<vmem>>
      %dma_start3A_325 = tpu.memref_slice %arg2[%add3A_4] : memref<16384xi32, #tpu.memory_space<hbm>> -> memref<128xi32, #tpu.memory_space<hbm>>
      tpu.enqueue_dma source(%dma_start3A_325 : memref<128xi32, #tpu.memory_space<hbm>>) target(%dma_start3A_324 : memref<128xi32, #tpu.memory_space<vmem>>) target_semaphore(%run_scoped3A_317 : memref<!tpu.dma_semaphore, #tpu.memory_space<semaphore_mem>>)
      %dma_wait3A_326 = arith.constant 0 : i32
      %dma_wait3A_327 = tpu.memref_slice %arg9[%run_scoped3A, %dma_wait3A_326] : memref<4x128xi32, #tpu.memory_space<vmem>> -> memref<1x128xi32, #tpu.memory_space<vmem>>
      %dma_wait3A_328 = tpu.memref_squeeze %dma_wait3A_327 : memref<1x128xi32, #tpu.memory_space<vmem>> -> memref<128xi32, #tpu.memory_space<vmem>>
      %dma_wait3A_329 = tpu.memref_slice %arg2[%add3A_4] : memref<16384xi32, #tpu.memory_space<hbm>> -> memref<128xi32, #tpu.memory_space<hbm>>
      %dma_wait3A_330 = arith.constant 0 : i32
      %dma_wait3A_331 = tpu.memref_slice %arg9[%run_scoped3A, %dma_wait3A_330] : memref<4x128xi32, #tpu.memory_space<vmem>> -> memref<1x128xi32, #tpu.memory_space<vmem>>
      %dma_wait3A_332 = tpu.memref_squeeze %dma_wait3A_331 : memref<1x128xi32, #tpu.memory_space<vmem>> -> memref<128xi32, #tpu.memory_space<vmem>>
      %dma_wait3A_333 = tpu.memref_slice %arg2[%add3A_4] : memref<16384xi32, #tpu.memory_space<hbm>> -> memref<128xi32, #tpu.memory_space<hbm>>
      tpu.wait_dma2 semaphore(%run_scoped3A_317 : memref<!tpu.dma_semaphore, #tpu.memory_space<semaphore_mem>>) src(%dma_wait3A_333 : memref<128xi32, #tpu.memory_space<hbm>>) dst(%dma_wait3A_332 : memref<128xi32, #tpu.memory_space<vmem>>)
      tpu.yield
    }) : () -> ()
    %add3A_5 = arith.constant 0 : i32
    %add3A_6 = arith.addi %mul3A_2, %add3A_5 : i32
    %run_scoped3A_7 = arith.constant 0 : i32
    "tpu.region"() ({
      %run_scoped3A_317 = tpu.sem_alloc : memref<!tpu.dma_semaphore, #tpu.memory_space<semaphore_mem>>
      %dma_start3A_318 = arith.constant 0 : i32
      %dma_start3A_319 = tpu.memref_slice %arg10[%run_scoped3A_7, %dma_start3A_318] : memref<4x128xi32, #tpu.memory_space<vmem>> -> memref<1x128xi32, #tpu.memory_space<vmem>>
      %dma_start3A_320 = tpu.memref_squeeze %dma_start3A_319 : memref<1x128xi32, #tpu.memory_space<vmem>> -> memref<128xi32, #tpu.memory_space<vmem>>
      %dma_start3A_321 = tpu.memref_slice %arg3[%add3A_6] : memref<16384xi32, #tpu.memory_space<hbm>> -> memref<128xi32, #tpu.memory_space<hbm>>
      %dma_start3A_322 = arith.constant 0 : i32
      %dma_start3A_323 = tpu.memref_slice %arg10[%run_scoped3A_7, %dma_start3A_322] : memref<4x128xi32, #tpu.memory_space<vmem>> -> memref<1x128xi32, #tpu.memory_space<vmem>>
      %dma_start3A_324 = tpu.memref_squeeze %dma_start3A_323 : memref<1x128xi32, #tpu.memory_space<vmem>> -> memref<128xi32, #tpu.memory_space<vmem>>
      %dma_start3A_325 = tpu.memref_slice %arg3[%add3A_6] : memref<16384xi32, #tpu.memory_space<hbm>> -> memref<128xi32, #tpu.memory_space<hbm>>
      tpu.enqueue_dma source(%dma_start3A_325 : memref<128xi32, #tpu.memory_space<hbm>>) target(%dma_start3A_324 : memref<128xi32, #tpu.memory_space<vmem>>) target_semaphore(%run_scoped3A_317 : memref<!tpu.dma_semaphore, #tpu.memory_space<semaphore_mem>>)
      %dma_wait3A_326 = arith.constant 0 : i32
      %dma_wait3A_327 = tpu.memref_slice %arg10[%run_scoped3A_7, %dma_wait3A_326] : memref<4x128xi32, #tpu.memory_space<vmem>> -> memref<1x128xi32, #tpu.memory_space<vmem>>
      %dma_wait3A_328 = tpu.memref_squeeze %dma_wait3A_327 : memref<1x128xi32, #tpu.memory_space<vmem>> -> memref<128xi32, #tpu.memory_space<vmem>>
      %dma_wait3A_329 = tpu.memref_slice %arg3[%add3A_6] : memref<16384xi32, #tpu.memory_space<hbm>> -> memref<128xi32, #tpu.memory_space<hbm>>
      %dma_wait3A_330 = arith.constant 0 : i32
      %dma_wait3A_331 = tpu.memref_slice %arg10[%run_scoped3A_7, %dma_wait3A_330] : memref<4x128xi32, #tpu.memory_space<vmem>> -> memref<1x128xi32, #tpu.memory_space<vmem>>
      %dma_wait3A_332 = tpu.memref_squeeze %dma_wait3A_331 : memref<1x128xi32, #tpu.memory_space<vmem>> -> memref<128xi32, #tpu.memory_space<vmem>>
      %dma_wait3A_333 = tpu.memref_slice %arg3[%add3A_6] : memref<16384xi32, #tpu.memory_space<hbm>> -> memref<128xi32, #tpu.memory_space<hbm>>
      tpu.wait_dma2 semaphore(%run_scoped3A_317 : memref<!tpu.dma_semaphore, #tpu.memory_space<semaphore_mem>>) src(%dma_wait3A_333 : memref<128xi32, #tpu.memory_space<hbm>>) dst(%dma_wait3A_332 : memref<128xi32, #tpu.memory_space<vmem>>)
      tpu.yield
    }) : () -> ()
    %add3A_8 = arith.constant 128 : i32
    %add3A_9 = arith.addi %mul3A_2, %add3A_8 : i32
    %run_scoped3A_10 = arith.constant 1 : i32
    "tpu.region"() ({
      %run_scoped3A_317 = tpu.sem_alloc : memref<!tpu.dma_semaphore, #tpu.memory_space<semaphore_mem>>
      %dma_start3A_318 = arith.constant 0 : i32
      %dma_start3A_319 = tpu.memref_slice %arg9[%run_scoped3A_10, %dma_start3A_318] : memref<4x128xi32, #tpu.memory_space<vmem>> -> memref<1x128xi32, #tpu.memory_space<vmem>>
      %dma_start3A_320 = tpu.memref_squeeze %dma_start3A_319 : memref<1x128xi32, #tpu.memory_space<vmem>> -> memref<128xi32, #tpu.memory_space<vmem>>
      %dma_start3A_321 = tpu.memref_slice %arg2[%add3A_9] : memref<16384xi32, #tpu.memory_space<hbm>> -> memref<128xi32, #tpu.memory_space<hbm>>
      %dma_start3A_322 = arith.constant 0 : i32
      %dma_start3A_323 = tpu.memref_slice %arg9[%run_scoped3A_10, %dma_start3A_322] : memref<4x128xi32, #tpu.memory_space<vmem>> -> memref<1x128xi32, #tpu.memory_space<vmem>>
      %dma_start3A_324 = tpu.memref_squeeze %dma_start3A_323 : memref<1x128xi32, #tpu.memory_space<vmem>> -> memref<128xi32, #tpu.memory_space<vmem>>
      %dma_start3A_325 = tpu.memref_slice %arg2[%add3A_9] : memref<16384xi32, #tpu.memory_space<hbm>> -> memref<128xi32, #tpu.memory_space<hbm>>
      tpu.enqueue_dma source(%dma_start3A_325 : memref<128xi32, #tpu.memory_space<hbm>>) target(%dma_start3A_324 : memref<128xi32, #tpu.memory_space<vmem>>) target_semaphore(%run_scoped3A_317 : memref<!tpu.dma_semaphore, #tpu.memory_space<semaphore_mem>>)
      %dma_wait3A_326 = arith.constant 0 : i32
      %dma_wait3A_327 = tpu.memref_slice %arg9[%run_scoped3A_10, %dma_wait3A_326] : memref<4x128xi32, #tpu.memory_space<vmem>> -> memref<1x128xi32, #tpu.memory_space<vmem>>
      %dma_wait3A_328 = tpu.memref_squeeze %dma_wait3A_327 : memref<1x128xi32, #tpu.memory_space<vmem>> -> memref<128xi32, #tpu.memory_space<vmem>>
      %dma_wait3A_329 = tpu.memref_slice %arg2[%add3A_9] : memref<16384xi32, #tpu.memory_space<hbm>> -> memref<128xi32, #tpu.memory_space<hbm>>
      %dma_wait3A_330 = arith.constant 0 : i32
      %dma_wait3A_331 = tpu.memref_slice %arg9[%run_scoped3A_10, %dma_wait3A_330] : memref<4x128xi32, #tpu.memory_space<vmem>> -> memref<1x128xi32, #tpu.memory_space<vmem>>
      %dma_wait3A_332 = tpu.memref_squeeze %dma_wait3A_331 : memref<1x128xi32, #tpu.memory_space<vmem>> -> memref<128xi32, #tpu.memory_space<vmem>>
      %dma_wait3A_333 = tpu.memref_slice %arg2[%add3A_9] : memref<16384xi32, #tpu.memory_space<hbm>> -> memref<128xi32, #tpu.memory_space<hbm>>
      tpu.wait_dma2 semaphore(%run_scoped3A_317 : memref<!tpu.dma_semaphore, #tpu.memory_space<semaphore_mem>>) src(%dma_wait3A_333 : memref<128xi32, #tpu.memory_space<hbm>>) dst(%dma_wait3A_332 : memref<128xi32, #tpu.memory_space<vmem>>)
      tpu.yield
    }) : () -> ()
    %add3A_11 = arith.constant 128 : i32
    %add3A_12 = arith.addi %mul3A_2, %add3A_11 : i32
    %run_scoped3A_13 = arith.constant 1 : i32
    "tpu.region"() ({
      %run_scoped3A_317 = tpu.sem_alloc : memref<!tpu.dma_semaphore, #tpu.memory_space<semaphore_mem>>
      %dma_start3A_318 = arith.constant 0 : i32
      %dma_start3A_319 = tpu.memref_slice %arg10[%run_scoped3A_13, %dma_start3A_318] : memref<4x128xi32, #tpu.memory_space<vmem>> -> memref<1x128xi32, #tpu.memory_space<vmem>>
      %dma_start3A_320 = tpu.memref_squeeze %dma_start3A_319 : memref<1x128xi32, #tpu.memory_space<vmem>> -> memref<128xi32, #tpu.memory_space<vmem>>
      %dma_start3A_321 = tpu.memref_slice %arg3[%add3A_12] : memref<16384xi32, #tpu.memory_space<hbm>> -> memref<128xi32, #tpu.memory_space<hbm>>
      %dma_start3A_322 = arith.constant 0 : i32
      %dma_start3A_323 = tpu.memref_slice %arg10[%run_scoped3A_13, %dma_start3A_322] : memref<4x128xi32, #tpu.memory_space<vmem>> -> memref<1x128xi32, #tpu.memory_space<vmem>>
      %dma_start3A_324 = tpu.memref_squeeze %dma_start3A_323 : memref<1x128xi32, #tpu.memory_space<vmem>> -> memref<128xi32, #tpu.memory_space<vmem>>
      %dma_start3A_325 = tpu.memref_slice %arg3[%add3A_12] : memref<16384xi32, #tpu.memory_space<hbm>> -> memref<128xi32, #tpu.memory_space<hbm>>
      tpu.enqueue_dma source(%dma_start3A_325 : memref<128xi32, #tpu.memory_space<hbm>>) target(%dma_start3A_324 : memref<128xi32, #tpu.memory_space<vmem>>) target_semaphore(%run_scoped3A_317 : memref<!tpu.dma_semaphore, #tpu.memory_space<semaphore_mem>>)
      %dma_wait3A_326 = arith.constant 0 : i32
      %dma_wait3A_327 = tpu.memref_slice %arg10[%run_scoped3A_13, %dma_wait3A_326] : memref<4x128xi32, #tpu.memory_space<vmem>> -> memref<1x128xi32, #tpu.memory_space<vmem>>
      %dma_wait3A_328 = tpu.memref_squeeze %dma_wait3A_327 : memref<1x128xi32, #tpu.memory_space<vmem>> -> memref<128xi32, #tpu.memory_space<vmem>>
      %dma_wait3A_329 = tpu.memref_slice %arg3[%add3A_12] : memref<16384xi32, #tpu.memory_space<hbm>> -> memref<128xi32, #tpu.memory_space<hbm>>
      %dma_wait3A_330 = arith.constant 0 : i32
      %dma_wait3A_331 = tpu.memref_slice %arg10[%run_scoped3A_13, %dma_wait3A_330] : memref<4x128xi32, #tpu.memory_space<vmem>> -> memref<1x128xi32, #tpu.memory_space<vmem>>
      %dma_wait3A_332 = tpu.memref_squeeze %dma_wait3A_331 : memref<1x128xi32, #tpu.memory_space<vmem>> -> memref<128xi32, #tpu.memory_space<vmem>>
      %dma_wait3A_333 = tpu.memref_slice %arg3[%add3A_12] : memref<16384xi32, #tpu.memory_space<hbm>> -> memref<128xi32, #tpu.memory_space<hbm>>
      tpu.wait_dma2 semaphore(%run_scoped3A_317 : memref<!tpu.dma_semaphore, #tpu.memory_space<semaphore_mem>>) src(%dma_wait3A_333 : memref<128xi32, #tpu.memory_space<hbm>>) dst(%dma_wait3A_332 : memref<128xi32, #tpu.memory_space<vmem>>)
      tpu.yield
    }) : () -> ()
    %add3A_14 = arith.constant 256 : i32
    %add3A_15 = arith.addi %mul3A_2, %add3A_14 : i32
    %run_scoped3A_16 = arith.constant 2 : i32
    "tpu.region"() ({
      %run_scoped3A_317 = tpu.sem_alloc : memref<!tpu.dma_semaphore, #tpu.memory_space<semaphore_mem>>
      %dma_start3A_318 = arith.constant 0 : i32
      %dma_start3A_319 = tpu.memref_slice %arg9[%run_scoped3A_16, %dma_start3A_318] : memref<4x128xi32, #tpu.memory_space<vmem>> -> memref<1x128xi32, #tpu.memory_space<vmem>>
      %dma_start3A_320 = tpu.memref_squeeze %dma_start3A_319 : memref<1x128xi32, #tpu.memory_space<vmem>> -> memref<128xi32, #tpu.memory_space<vmem>>
      %dma_start3A_321 = tpu.memref_slice %arg2[%add3A_15] : memref<16384xi32, #tpu.memory_space<hbm>> -> memref<128xi32, #tpu.memory_space<hbm>>
      %dma_start3A_322 = arith.constant 0 : i32
      %dma_start3A_323 = tpu.memref_slice %arg9[%run_scoped3A_16, %dma_start3A_322] : memref<4x128xi32, #tpu.memory_space<vmem>> -> memref<1x128xi32, #tpu.memory_space<vmem>>
      %dma_start3A_324 = tpu.memref_squeeze %dma_start3A_323 : memref<1x128xi32, #tpu.memory_space<vmem>> -> memref<128xi32, #tpu.memory_space<vmem>>
      %dma_start3A_325 = tpu.memref_slice %arg2[%add3A_15] : memref<16384xi32, #tpu.memory_space<hbm>> -> memref<128xi32, #tpu.memory_space<hbm>>
      tpu.enqueue_dma source(%dma_start3A_325 : memref<128xi32, #tpu.memory_space<hbm>>) target(%dma_start3A_324 : memref<128xi32, #tpu.memory_space<vmem>>) target_semaphore(%run_scoped3A_317 : memref<!tpu.dma_semaphore, #tpu.memory_space<semaphore_mem>>)
      %dma_wait3A_326 = arith.constant 0 : i32
      %dma_wait3A_327 = tpu.memref_slice %arg9[%run_scoped3A_16, %dma_wait3A_326] : memref<4x128xi32, #tpu.memory_space<vmem>> -> memref<1x128xi32, #tpu.memory_space<vmem>>
      %dma_wait3A_328 = tpu.memref_squeeze %dma_wait3A_327 : memref<1x128xi32, #tpu.memory_space<vmem>> -> memref<128xi32, #tpu.memory_space<vmem>>
      %dma_wait3A_329 = tpu.memref_slice %arg2[%add3A_15] : memref<16384xi32, #tpu.memory_space<hbm>> -> memref<128xi32, #tpu.memory_space<hbm>>
      %dma_wait3A_330 = arith.constant 0 : i32
      %dma_wait3A_331 = tpu.memref_slice %arg9[%run_scoped3A_16, %dma_wait3A_330] : memref<4x128xi32, #tpu.memory_space<vmem>> -> memref<1x128xi32, #tpu.memory_space<vmem>>
      %dma_wait3A_332 = tpu.memref_squeeze %dma_wait3A_331 : memref<1x128xi32, #tpu.memory_space<vmem>> -> memref<128xi32, #tpu.memory_space<vmem>>
      %dma_wait3A_333 = tpu.memref_slice %arg2[%add3A_15] : memref<16384xi32, #tpu.memory_space<hbm>> -> memref<128xi32, #tpu.memory_space<hbm>>
      tpu.wait_dma2 semaphore(%run_scoped3A_317 : memref<!tpu.dma_semaphore, #tpu.memory_space<semaphore_mem>>) src(%dma_wait3A_333 : memref<128xi32, #tpu.memory_space<hbm>>) dst(%dma_wait3A_332 : memref<128xi32, #tpu.memory_space<vmem>>)
      tpu.yield
    }) : () -> ()
    %add3A_17 = arith.constant 256 : i32
    %add3A_18 = arith.addi %mul3A_2, %add3A_17 : i32
    %run_scoped3A_19 = arith.constant 2 : i32
    "tpu.region"() ({
      %run_scoped3A_317 = tpu.sem_alloc : memref<!tpu.dma_semaphore, #tpu.memory_space<semaphore_mem>>
      %dma_start3A_318 = arith.constant 0 : i32
      %dma_start3A_319 = tpu.memref_slice %arg10[%run_scoped3A_19, %dma_start3A_318] : memref<4x128xi32, #tpu.memory_space<vmem>> -> memref<1x128xi32, #tpu.memory_space<vmem>>
      %dma_start3A_320 = tpu.memref_squeeze %dma_start3A_319 : memref<1x128xi32, #tpu.memory_space<vmem>> -> memref<128xi32, #tpu.memory_space<vmem>>
      %dma_start3A_321 = tpu.memref_slice %arg3[%add3A_18] : memref<16384xi32, #tpu.memory_space<hbm>> -> memref<128xi32, #tpu.memory_space<hbm>>
      %dma_start3A_322 = arith.constant 0 : i32
      %dma_start3A_323 = tpu.memref_slice %arg10[%run_scoped3A_19, %dma_start3A_322] : memref<4x128xi32, #tpu.memory_space<vmem>> -> memref<1x128xi32, #tpu.memory_space<vmem>>
      %dma_start3A_324 = tpu.memref_squeeze %dma_start3A_323 : memref<1x128xi32, #tpu.memory_space<vmem>> -> memref<128xi32, #tpu.memory_space<vmem>>
      %dma_start3A_325 = tpu.memref_slice %arg3[%add3A_18] : memref<16384xi32, #tpu.memory_space<hbm>> -> memref<128xi32, #tpu.memory_space<hbm>>
      tpu.enqueue_dma source(%dma_start3A_325 : memref<128xi32, #tpu.memory_space<hbm>>) target(%dma_start3A_324 : memref<128xi32, #tpu.memory_space<vmem>>) target_semaphore(%run_scoped3A_317 : memref<!tpu.dma_semaphore, #tpu.memory_space<semaphore_mem>>)
      %dma_wait3A_326 = arith.constant 0 : i32
      %dma_wait3A_327 = tpu.memref_slice %arg10[%run_scoped3A_19, %dma_wait3A_326] : memref<4x128xi32, #tpu.memory_space<vmem>> -> memref<1x128xi32, #tpu.memory_space<vmem>>
      %dma_wait3A_328 = tpu.memref_squeeze %dma_wait3A_327 : memref<1x128xi32, #tpu.memory_space<vmem>> -> memref<128xi32, #tpu.memory_space<vmem>>
      %dma_wait3A_329 = tpu.memref_slice %arg3[%add3A_18] : memref<16384xi32, #tpu.memory_space<hbm>> -> memref<128xi32, #tpu.memory_space<hbm>>
      %dma_wait3A_330 = arith.constant 0 : i32
      %dma_wait3A_331 = tpu.memref_slice %arg10[%run_scoped3A_19, %dma_wait3A_330] : memref<4x128xi32, #tpu.memory_space<vmem>> -> memref<1x128xi32, #tpu.memory_space<vmem>>
      %dma_wait3A_332 = tpu.memref_squeeze %dma_wait3A_331 : memref<1x128xi32, #tpu.memory_space<vmem>> -> memref<128xi32, #tpu.memory_space<vmem>>
      %dma_wait3A_333 = tpu.memref_slice %arg3[%add3A_18] : memref<16384xi32, #tpu.memory_space<hbm>> -> memref<128xi32, #tpu.memory_space<hbm>>
      tpu.wait_dma2 semaphore(%run_scoped3A_317 : memref<!tpu.dma_semaphore, #tpu.memory_space<semaphore_mem>>) src(%dma_wait3A_333 : memref<128xi32, #tpu.memory_space<hbm>>) dst(%dma_wait3A_332 : memref<128xi32, #tpu.memory_space<vmem>>)
      tpu.yield
    }) : () -> ()
    %add3A_20 = arith.constant 384 : i32
    %add3A_21 = arith.addi %mul3A_2, %add3A_20 : i32
    %run_scoped3A_22 = arith.constant 3 : i32
    "tpu.region"() ({
      %run_scoped3A_317 = tpu.sem_alloc : memref<!tpu.dma_semaphore, #tpu.memory_space<semaphore_mem>>
      %dma_start3A_318 = arith.constant 0 : i32
      %dma_start3A_319 = tpu.memref_slice %arg9[%run_scoped3A_22, %dma_start3A_318] : memref<4x128xi32, #tpu.memory_space<vmem>> -> memref<1x128xi32, #tpu.memory_space<vmem>>
      %dma_start3A_320 = tpu.memref_squeeze %dma_start3A_319 : memref<1x128xi32, #tpu.memory_space<vmem>> -> memref<128xi32, #tpu.memory_space<vmem>>
      %dma_start3A_321 = tpu.memref_slice %arg2[%add3A_21] : memref<16384xi32, #tpu.memory_space<hbm>> -> memref<128xi32, #tpu.memory_space<hbm>>
      %dma_start3A_322 = arith.constant 0 : i32
      %dma_start3A_323 = tpu.memref_slice %arg9[%run_scoped3A_22, %dma_start3A_322] : memref<4x128xi32, #tpu.memory_space<vmem>> -> memref<1x128xi32, #tpu.memory_space<vmem>>
      %dma_start3A_324 = tpu.memref_squeeze %dma_start3A_323 : memref<1x128xi32, #tpu.memory_space<vmem>> -> memref<128xi32, #tpu.memory_space<vmem>>
      %dma_start3A_325 = tpu.memref_slice %arg2[%add3A_21] : memref<16384xi32, #tpu.memory_space<hbm>> -> memref<128xi32, #tpu.memory_space<hbm>>
      tpu.enqueue_dma source(%dma_start3A_325 : memref<128xi32, #tpu.memory_space<hbm>>) target(%dma_start3A_324 : memref<128xi32, #tpu.memory_space<vmem>>) target_semaphore(%run_scoped3A_317 : memref<!tpu.dma_semaphore, #tpu.memory_space<semaphore_mem>>)
      %dma_wait3A_326 = arith.constant 0 : i32
      %dma_wait3A_327 = tpu.memref_slice %arg9[%run_scoped3A_22, %dma_wait3A_326] : memref<4x128xi32, #tpu.memory_space<vmem>> -> memref<1x128xi32, #tpu.memory_space<vmem>>
      %dma_wait3A_328 = tpu.memref_squeeze %dma_wait3A_327 : memref<1x128xi32, #tpu.memory_space<vmem>> -> memref<128xi32, #tpu.memory_space<vmem>>
      %dma_wait3A_329 = tpu.memref_slice %arg2[%add3A_21] : memref<16384xi32, #tpu.memory_space<hbm>> -> memref<128xi32, #tpu.memory_space<hbm>>
      %dma_wait3A_330 = arith.constant 0 : i32
      %dma_wait3A_331 = tpu.memref_slice %arg9[%run_scoped3A_22, %dma_wait3A_330] : memref<4x128xi32, #tpu.memory_space<vmem>> -> memref<1x128xi32, #tpu.memory_space<vmem>>
      %dma_wait3A_332 = tpu.memref_squeeze %dma_wait3A_331 : memref<1x128xi32, #tpu.memory_space<vmem>> -> memref<128xi32, #tpu.memory_space<vmem>>
      %dma_wait3A_333 = tpu.memref_slice %arg2[%add3A_21] : memref<16384xi32, #tpu.memory_space<hbm>> -> memref<128xi32, #tpu.memory_space<hbm>>
      tpu.wait_dma2 semaphore(%run_scoped3A_317 : memref<!tpu.dma_semaphore, #tpu.memory_space<semaphore_mem>>) src(%dma_wait3A_333 : memref<128xi32, #tpu.memory_space<hbm>>) dst(%dma_wait3A_332 : memref<128xi32, #tpu.memory_space<vmem>>)
      tpu.yield
    }) : () -> ()
    %add3A_23 = arith.constant 384 : i32
    %add3A_24 = arith.addi %mul3A_2, %add3A_23 : i32
    %run_scoped3A_25 = arith.constant 3 : i32
    "tpu.region"() ({
      %run_scoped3A_317 = tpu.sem_alloc : memref<!tpu.dma_semaphore, #tpu.memory_space<semaphore_mem>>
      %dma_start3A_318 = arith.constant 0 : i32
      %dma_start3A_319 = tpu.memref_slice %arg10[%run_scoped3A_25, %dma_start3A_318] : memref<4x128xi32, #tpu.memory_space<vmem>> -> memref<1x128xi32, #tpu.memory_space<vmem>>
      %dma_start3A_320 = tpu.memref_squeeze %dma_start3A_319 : memref<1x128xi32, #tpu.memory_space<vmem>> -> memref<128xi32, #tpu.memory_space<vmem>>
      %dma_start3A_321 = tpu.memref_slice %arg3[%add3A_24] : memref<16384xi32, #tpu.memory_space<hbm>> -> memref<128xi32, #tpu.memory_space<hbm>>
      %dma_start3A_322 = arith.constant 0 : i32
      %dma_start3A_323 = tpu.memref_slice %arg10[%run_scoped3A_25, %dma_start3A_322] : memref<4x128xi32, #tpu.memory_space<vmem>> -> memref<1x128xi32, #tpu.memory_space<vmem>>
      %dma_start3A_324 = tpu.memref_squeeze %dma_start3A_323 : memref<1x128xi32, #tpu.memory_space<vmem>> -> memref<128xi32, #tpu.memory_space<vmem>>
      %dma_start3A_325 = tpu.memref_slice %arg3[%add3A_24] : memref<16384xi32, #tpu.memory_space<hbm>> -> memref<128xi32, #tpu.memory_space<hbm>>
      tpu.enqueue_dma source(%dma_start3A_325 : memref<128xi32, #tpu.memory_space<hbm>>) target(%dma_start3A_324 : memref<128xi32, #tpu.memory_space<vmem>>) target_semaphore(%run_scoped3A_317 : memref<!tpu.dma_semaphore, #tpu.memory_space<semaphore_mem>>)
      %dma_wait3A_326 = arith.constant 0 : i32
      %dma_wait3A_327 = tpu.memref_slice %arg10[%run_scoped3A_25, %dma_wait3A_326] : memref<4x128xi32, #tpu.memory_space<vmem>> -> memref<1x128xi32, #tpu.memory_space<vmem>>
      %dma_wait3A_328 = tpu.memref_squeeze %dma_wait3A_327 : memref<1x128xi32, #tpu.memory_space<vmem>> -> memref<128xi32, #tpu.memory_space<vmem>>
      %dma_wait3A_329 = tpu.memref_slice %arg3[%add3A_24] : memref<16384xi32, #tpu.memory_space<hbm>> -> memref<128xi32, #tpu.memory_space<hbm>>
      %dma_wait3A_330 = arith.constant 0 : i32
      %dma_wait3A_331 = tpu.memref_slice %arg10[%run_scoped3A_25, %dma_wait3A_330] : memref<4x128xi32, #tpu.memory_space<vmem>> -> memref<1x128xi32, #tpu.memory_space<vmem>>
      %dma_wait3A_332 = tpu.memref_squeeze %dma_wait3A_331 : memref<1x128xi32, #tpu.memory_space<vmem>> -> memref<128xi32, #tpu.memory_space<vmem>>
      %dma_wait3A_333 = tpu.memref_slice %arg3[%add3A_24] : memref<16384xi32, #tpu.memory_space<hbm>> -> memref<128xi32, #tpu.memory_space<hbm>>
      tpu.wait_dma2 semaphore(%run_scoped3A_317 : memref<!tpu.dma_semaphore, #tpu.memory_space<semaphore_mem>>) src(%dma_wait3A_333 : memref<128xi32, #tpu.memory_space<hbm>>) dst(%dma_wait3A_332 : memref<128xi32, #tpu.memory_space<vmem>>)
      tpu.yield
    }) : () -> ()
    %dma_start3A = arith.constant 0 : i32
    %dma_start3A_26 = arith.constant 0 : i32
    %dma_start3A_27 = arith.constant 0 : i32
    %dma_start3A_28 = tpu.memref_slice %arg11[%dma_start3A_26, %dma_start3A_27] : memref<512x32xf32, #tpu.memory_space<vmem>> -> memref<128x32xf32, #tpu.memory_space<vmem>>
    %dma_start3A_29 = arith.constant 0 : i32
    %dma_start3A_30 = tpu.memref_slice %arg9[%dma_start3A, %dma_start3A_29] : memref<4x128xi32, #tpu.memory_space<vmem>> -> memref<1x128xi32, #tpu.memory_space<vmem>>
    %dma_start3A_31 = tpu.memref_squeeze %dma_start3A_30 : memref<1x128xi32, #tpu.memory_space<vmem>> -> memref<128xi32, #tpu.memory_space<vmem>>
    %dma_start3A_32 = arith.constant 0 : i32
    %dma_start3A_33 = arith.constant 0 : i32
    %dma_start3A_34 = tpu.memref_slice %arg4[%dma_start3A_32, %dma_start3A_33] : memref<1000000x32xf32, #tpu.memory_space<hbm>> -> memref<1000000x32xf32, #tpu.memory_space<hbm>>
    tpu.enqueue_indirect_dma source(%dma_start3A_34 : memref<1000000x32xf32, #tpu.memory_space<hbm>>) target(%dma_start3A_28 : memref<128x32xf32, #tpu.memory_space<vmem>>) offsets(%dma_start3A_31 : memref<128xi32, #tpu.memory_space<vmem>>) semaphore(%arg16 : memref<!tpu.dma_semaphore, #tpu.memory_space<semaphore_mem>>)
    %dma_start3A_35 = arith.constant 0 : i32
    %dma_start3A_36 = arith.constant 0 : i32
    %dma_start3A_37 = arith.constant 0 : i32
    %dma_start3A_38 = tpu.memref_slice %arg12[%dma_start3A_36, %dma_start3A_37] : memref<512x32xf32, #tpu.memory_space<vmem>> -> memref<128x32xf32, #tpu.memory_space<vmem>>
    %dma_start3A_39 = arith.constant 0 : i32
    %dma_start3A_40 = tpu.memref_slice %arg10[%dma_start3A_35, %dma_start3A_39] : memref<4x128xi32, #tpu.memory_space<vmem>> -> memref<1x128xi32, #tpu.memory_space<vmem>>
    %dma_start3A_41 = tpu.memref_squeeze %dma_start3A_40 : memref<1x128xi32, #tpu.memory_space<vmem>> -> memref<128xi32, #tpu.memory_space<vmem>>
    %dma_start3A_42 = arith.constant 0 : i32
    %dma_start3A_43 = arith.constant 0 : i32
    %dma_start3A_44 = tpu.memref_slice %arg5[%dma_start3A_42, %dma_start3A_43] : memref<100000x32xf32, #tpu.memory_space<hbm>> -> memref<100000x32xf32, #tpu.memory_space<hbm>>
    tpu.enqueue_indirect_dma source(%dma_start3A_44 : memref<100000x32xf32, #tpu.memory_space<hbm>>) target(%dma_start3A_38 : memref<128x32xf32, #tpu.memory_space<vmem>>) offsets(%dma_start3A_41 : memref<128xi32, #tpu.memory_space<vmem>>) semaphore(%arg16 : memref<!tpu.dma_semaphore, #tpu.memory_space<semaphore_mem>>)
    %dma_start3A_45 = arith.constant 0 : i32
    %dma_start3A_46 = arith.constant 0 : i32
    %dma_start3A_47 = tpu.memref_slice %arg13[%dma_start3A_46] : memref<512xf32, #tpu.memory_space<vmem>> -> memref<128xf32, #tpu.memory_space<vmem>>
    %dma_start3A_48 = arith.constant 0 : i32
    %dma_start3A_49 = tpu.memref_slice %arg9[%dma_start3A_45, %dma_start3A_48] : memref<4x128xi32, #tpu.memory_space<vmem>> -> memref<1x128xi32, #tpu.memory_space<vmem>>
    %dma_start3A_50 = tpu.memref_squeeze %dma_start3A_49 : memref<1x128xi32, #tpu.memory_space<vmem>> -> memref<128xi32, #tpu.memory_space<vmem>>
    %dma_start3A_51 = arith.constant 0 : i32
    %dma_start3A_52 = tpu.memref_slice %arg6[%dma_start3A_51] : memref<1000000xf32, #tpu.memory_space<hbm>> -> memref<1000000xf32, #tpu.memory_space<hbm>>
    tpu.enqueue_indirect_dma source(%dma_start3A_52 : memref<1000000xf32, #tpu.memory_space<hbm>>) target(%dma_start3A_47 : memref<128xf32, #tpu.memory_space<vmem>>) offsets(%dma_start3A_50 : memref<128xi32, #tpu.memory_space<vmem>>) semaphore(%arg16 : memref<!tpu.dma_semaphore, #tpu.memory_space<semaphore_mem>>)
    %dma_start3A_53 = arith.constant 0 : i32
    %dma_start3A_54 = arith.constant 0 : i32
    %dma_start3A_55 = tpu.memref_slice %arg14[%dma_start3A_54] : memref<512xf32, #tpu.memory_space<vmem>> -> memref<128xf32, #tpu.memory_space<vmem>>
    %dma_start3A_56 = arith.constant 0 : i32
    %dma_start3A_57 = tpu.memref_slice %arg10[%dma_start3A_53, %dma_start3A_56] : memref<4x128xi32, #tpu.memory_space<vmem>> -> memref<1x128xi32, #tpu.memory_space<vmem>>
    %dma_start3A_58 = tpu.memref_squeeze %dma_start3A_57 : memref<1x128xi32, #tpu.memory_space<vmem>> -> memref<128xi32, #tpu.memory_space<vmem>>
    %dma_start3A_59 = arith.constant 0 : i32
    %dma_start3A_60 = tpu.memref_slice %arg7[%dma_start3A_59] : memref<100000xf32, #tpu.memory_space<hbm>> -> memref<100000xf32, #tpu.memory_space<hbm>>
    tpu.enqueue_indirect_dma source(%dma_start3A_60 : memref<100000xf32, #tpu.memory_space<hbm>>) target(%dma_start3A_55 : memref<128xf32, #tpu.memory_space<vmem>>) offsets(%dma_start3A_58 : memref<128xi32, #tpu.memory_space<vmem>>) semaphore(%arg16 : memref<!tpu.dma_semaphore, #tpu.memory_space<semaphore_mem>>)
    %dma_start3A_61 = arith.constant 1 : i32
    %dma_start3A_62 = arith.constant 128 : i32
    %dma_start3A_63 = arith.constant 0 : i32
    %dma_start3A_64 = tpu.memref_slice %arg11[%dma_start3A_62, %dma_start3A_63] : memref<512x32xf32, #tpu.memory_space<vmem>> -> memref<128x32xf32, #tpu.memory_space<vmem>>
    %dma_start3A_65 = arith.constant 0 : i32
    %dma_start3A_66 = tpu.memref_slice %arg9[%dma_start3A_61, %dma_start3A_65] : memref<4x128xi32, #tpu.memory_space<vmem>> -> memref<1x128xi32, #tpu.memory_space<vmem>>
    %dma_start3A_67 = tpu.memref_squeeze %dma_start3A_66 : memref<1x128xi32, #tpu.memory_space<vmem>> -> memref<128xi32, #tpu.memory_space<vmem>>
    %dma_start3A_68 = arith.constant 0 : i32
    %dma_start3A_69 = arith.constant 0 : i32
    %dma_start3A_70 = tpu.memref_slice %arg4[%dma_start3A_68, %dma_start3A_69] : memref<1000000x32xf32, #tpu.memory_space<hbm>> -> memref<1000000x32xf32, #tpu.memory_space<hbm>>
    tpu.enqueue_indirect_dma source(%dma_start3A_70 : memref<1000000x32xf32, #tpu.memory_space<hbm>>) target(%dma_start3A_64 : memref<128x32xf32, #tpu.memory_space<vmem>>) offsets(%dma_start3A_67 : memref<128xi32, #tpu.memory_space<vmem>>) semaphore(%arg16 : memref<!tpu.dma_semaphore, #tpu.memory_space<semaphore_mem>>)
    %dma_start3A_71 = arith.constant 1 : i32
    %dma_start3A_72 = arith.constant 128 : i32
    %dma_start3A_73 = arith.constant 0 : i32
    %dma_start3A_74 = tpu.memref_slice %arg12[%dma_start3A_72, %dma_start3A_73] : memref<512x32xf32, #tpu.memory_space<vmem>> -> memref<128x32xf32, #tpu.memory_space<vmem>>
    %dma_start3A_75 = arith.constant 0 : i32
    %dma_start3A_76 = tpu.memref_slice %arg10[%dma_start3A_71, %dma_start3A_75] : memref<4x128xi32, #tpu.memory_space<vmem>> -> memref<1x128xi32, #tpu.memory_space<vmem>>
    %dma_start3A_77 = tpu.memref_squeeze %dma_start3A_76 : memref<1x128xi32, #tpu.memory_space<vmem>> -> memref<128xi32, #tpu.memory_space<vmem>>
    %dma_start3A_78 = arith.constant 0 : i32
    %dma_start3A_79 = arith.constant 0 : i32
    %dma_start3A_80 = tpu.memref_slice %arg5[%dma_start3A_78, %dma_start3A_79] : memref<100000x32xf32, #tpu.memory_space<hbm>> -> memref<100000x32xf32, #tpu.memory_space<hbm>>
    tpu.enqueue_indirect_dma source(%dma_start3A_80 : memref<100000x32xf32, #tpu.memory_space<hbm>>) target(%dma_start3A_74 : memref<128x32xf32, #tpu.memory_space<vmem>>) offsets(%dma_start3A_77 : memref<128xi32, #tpu.memory_space<vmem>>) semaphore(%arg16 : memref<!tpu.dma_semaphore, #tpu.memory_space<semaphore_mem>>)
    %dma_start3A_81 = arith.constant 1 : i32
    %dma_start3A_82 = arith.constant 128 : i32
    %dma_start3A_83 = tpu.memref_slice %arg13[%dma_start3A_82] : memref<512xf32, #tpu.memory_space<vmem>> -> memref<128xf32, #tpu.memory_space<vmem>>
    %dma_start3A_84 = arith.constant 0 : i32
    %dma_start3A_85 = tpu.memref_slice %arg9[%dma_start3A_81, %dma_start3A_84] : memref<4x128xi32, #tpu.memory_space<vmem>> -> memref<1x128xi32, #tpu.memory_space<vmem>>
    %dma_start3A_86 = tpu.memref_squeeze %dma_start3A_85 : memref<1x128xi32, #tpu.memory_space<vmem>> -> memref<128xi32, #tpu.memory_space<vmem>>
    %dma_start3A_87 = arith.constant 0 : i32
    %dma_start3A_88 = tpu.memref_slice %arg6[%dma_start3A_87] : memref<1000000xf32, #tpu.memory_space<hbm>> -> memref<1000000xf32, #tpu.memory_space<hbm>>
    tpu.enqueue_indirect_dma source(%dma_start3A_88 : memref<1000000xf32, #tpu.memory_space<hbm>>) target(%dma_start3A_83 : memref<128xf32, #tpu.memory_space<vmem>>) offsets(%dma_start3A_86 : memref<128xi32, #tpu.memory_space<vmem>>) semaphore(%arg16 : memref<!tpu.dma_semaphore, #tpu.memory_space<semaphore_mem>>)
    %dma_start3A_89 = arith.constant 1 : i32
    %dma_start3A_90 = arith.constant 128 : i32
    %dma_start3A_91 = tpu.memref_slice %arg14[%dma_start3A_90] : memref<512xf32, #tpu.memory_space<vmem>> -> memref<128xf32, #tpu.memory_space<vmem>>
    %dma_start3A_92 = arith.constant 0 : i32
    %dma_start3A_93 = tpu.memref_slice %arg10[%dma_start3A_89, %dma_start3A_92] : memref<4x128xi32, #tpu.memory_space<vmem>> -> memref<1x128xi32, #tpu.memory_space<vmem>>
    %dma_start3A_94 = tpu.memref_squeeze %dma_start3A_93 : memref<1x128xi32, #tpu.memory_space<vmem>> -> memref<128xi32, #tpu.memory_space<vmem>>
    %dma_start3A_95 = arith.constant 0 : i32
    %dma_start3A_96 = tpu.memref_slice %arg7[%dma_start3A_95] : memref<100000xf32, #tpu.memory_space<hbm>> -> memref<100000xf32, #tpu.memory_space<hbm>>
    tpu.enqueue_indirect_dma source(%dma_start3A_96 : memref<100000xf32, #tpu.memory_space<hbm>>) target(%dma_start3A_91 : memref<128xf32, #tpu.memory_space<vmem>>) offsets(%dma_start3A_94 : memref<128xi32, #tpu.memory_space<vmem>>) semaphore(%arg16 : memref<!tpu.dma_semaphore, #tpu.memory_space<semaphore_mem>>)
    %dma_start3A_97 = arith.constant 2 : i32
    %dma_start3A_98 = arith.constant 256 : i32
    %dma_start3A_99 = arith.constant 0 : i32
    %dma_start3A_100 = tpu.memref_slice %arg11[%dma_start3A_98, %dma_start3A_99] : memref<512x32xf32, #tpu.memory_space<vmem>> -> memref<128x32xf32, #tpu.memory_space<vmem>>
    %dma_start3A_101 = arith.constant 0 : i32
    %dma_start3A_102 = tpu.memref_slice %arg9[%dma_start3A_97, %dma_start3A_101] : memref<4x128xi32, #tpu.memory_space<vmem>> -> memref<1x128xi32, #tpu.memory_space<vmem>>
    %dma_start3A_103 = tpu.memref_squeeze %dma_start3A_102 : memref<1x128xi32, #tpu.memory_space<vmem>> -> memref<128xi32, #tpu.memory_space<vmem>>
    %dma_start3A_104 = arith.constant 0 : i32
    %dma_start3A_105 = arith.constant 0 : i32
    %dma_start3A_106 = tpu.memref_slice %arg4[%dma_start3A_104, %dma_start3A_105] : memref<1000000x32xf32, #tpu.memory_space<hbm>> -> memref<1000000x32xf32, #tpu.memory_space<hbm>>
    tpu.enqueue_indirect_dma source(%dma_start3A_106 : memref<1000000x32xf32, #tpu.memory_space<hbm>>) target(%dma_start3A_100 : memref<128x32xf32, #tpu.memory_space<vmem>>) offsets(%dma_start3A_103 : memref<128xi32, #tpu.memory_space<vmem>>) semaphore(%arg16 : memref<!tpu.dma_semaphore, #tpu.memory_space<semaphore_mem>>)
    %dma_start3A_107 = arith.constant 2 : i32
    %dma_start3A_108 = arith.constant 256 : i32
    %dma_start3A_109 = arith.constant 0 : i32
    %dma_start3A_110 = tpu.memref_slice %arg12[%dma_start3A_108, %dma_start3A_109] : memref<512x32xf32, #tpu.memory_space<vmem>> -> memref<128x32xf32, #tpu.memory_space<vmem>>
    %dma_start3A_111 = arith.constant 0 : i32
    %dma_start3A_112 = tpu.memref_slice %arg10[%dma_start3A_107, %dma_start3A_111] : memref<4x128xi32, #tpu.memory_space<vmem>> -> memref<1x128xi32, #tpu.memory_space<vmem>>
    %dma_start3A_113 = tpu.memref_squeeze %dma_start3A_112 : memref<1x128xi32, #tpu.memory_space<vmem>> -> memref<128xi32, #tpu.memory_space<vmem>>
    %dma_start3A_114 = arith.constant 0 : i32
    %dma_start3A_115 = arith.constant 0 : i32
    %dma_start3A_116 = tpu.memref_slice %arg5[%dma_start3A_114, %dma_start3A_115] : memref<100000x32xf32, #tpu.memory_space<hbm>> -> memref<100000x32xf32, #tpu.memory_space<hbm>>
    tpu.enqueue_indirect_dma source(%dma_start3A_116 : memref<100000x32xf32, #tpu.memory_space<hbm>>) target(%dma_start3A_110 : memref<128x32xf32, #tpu.memory_space<vmem>>) offsets(%dma_start3A_113 : memref<128xi32, #tpu.memory_space<vmem>>) semaphore(%arg16 : memref<!tpu.dma_semaphore, #tpu.memory_space<semaphore_mem>>)
    %dma_start3A_117 = arith.constant 2 : i32
    %dma_start3A_118 = arith.constant 256 : i32
    %dma_start3A_119 = tpu.memref_slice %arg13[%dma_start3A_118] : memref<512xf32, #tpu.memory_space<vmem>> -> memref<128xf32, #tpu.memory_space<vmem>>
    %dma_start3A_120 = arith.constant 0 : i32
    %dma_start3A_121 = tpu.memref_slice %arg9[%dma_start3A_117, %dma_start3A_120] : memref<4x128xi32, #tpu.memory_space<vmem>> -> memref<1x128xi32, #tpu.memory_space<vmem>>
    %dma_start3A_122 = tpu.memref_squeeze %dma_start3A_121 : memref<1x128xi32, #tpu.memory_space<vmem>> -> memref<128xi32, #tpu.memory_space<vmem>>
    %dma_start3A_123 = arith.constant 0 : i32
    %dma_start3A_124 = tpu.memref_slice %arg6[%dma_start3A_123] : memref<1000000xf32, #tpu.memory_space<hbm>> -> memref<1000000xf32, #tpu.memory_space<hbm>>
    tpu.enqueue_indirect_dma source(%dma_start3A_124 : memref<1000000xf32, #tpu.memory_space<hbm>>) target(%dma_start3A_119 : memref<128xf32, #tpu.memory_space<vmem>>) offsets(%dma_start3A_122 : memref<128xi32, #tpu.memory_space<vmem>>) semaphore(%arg16 : memref<!tpu.dma_semaphore, #tpu.memory_space<semaphore_mem>>)
    %dma_start3A_125 = arith.constant 2 : i32
    %dma_start3A_126 = arith.constant 256 : i32
    %dma_start3A_127 = tpu.memref_slice %arg14[%dma_start3A_126] : memref<512xf32, #tpu.memory_space<vmem>> -> memref<128xf32, #tpu.memory_space<vmem>>
    %dma_start3A_128 = arith.constant 0 : i32
    %dma_start3A_129 = tpu.memref_slice %arg10[%dma_start3A_125, %dma_start3A_128] : memref<4x128xi32, #tpu.memory_space<vmem>> -> memref<1x128xi32, #tpu.memory_space<vmem>>
    %dma_start3A_130 = tpu.memref_squeeze %dma_start3A_129 : memref<1x128xi32, #tpu.memory_space<vmem>> -> memref<128xi32, #tpu.memory_space<vmem>>
    %dma_start3A_131 = arith.constant 0 : i32
    %dma_start3A_132 = tpu.memref_slice %arg7[%dma_start3A_131] : memref<100000xf32, #tpu.memory_space<hbm>> -> memref<100000xf32, #tpu.memory_space<hbm>>
    tpu.enqueue_indirect_dma source(%dma_start3A_132 : memref<100000xf32, #tpu.memory_space<hbm>>) target(%dma_start3A_127 : memref<128xf32, #tpu.memory_space<vmem>>) offsets(%dma_start3A_130 : memref<128xi32, #tpu.memory_space<vmem>>) semaphore(%arg16 : memref<!tpu.dma_semaphore, #tpu.memory_space<semaphore_mem>>)
    %dma_start3A_133 = arith.constant 3 : i32
    %dma_start3A_134 = arith.constant 384 : i32
    %dma_start3A_135 = arith.constant 0 : i32
    %dma_start3A_136 = tpu.memref_slice %arg11[%dma_start3A_134, %dma_start3A_135] : memref<512x32xf32, #tpu.memory_space<vmem>> -> memref<128x32xf32, #tpu.memory_space<vmem>>
    %dma_start3A_137 = arith.constant 0 : i32
    %dma_start3A_138 = tpu.memref_slice %arg9[%dma_start3A_133, %dma_start3A_137] : memref<4x128xi32, #tpu.memory_space<vmem>> -> memref<1x128xi32, #tpu.memory_space<vmem>>
    %dma_start3A_139 = tpu.memref_squeeze %dma_start3A_138 : memref<1x128xi32, #tpu.memory_space<vmem>> -> memref<128xi32, #tpu.memory_space<vmem>>
    %dma_start3A_140 = arith.constant 0 : i32
    %dma_start3A_141 = arith.constant 0 : i32
    %dma_start3A_142 = tpu.memref_slice %arg4[%dma_start3A_140, %dma_start3A_141] : memref<1000000x32xf32, #tpu.memory_space<hbm>> -> memref<1000000x32xf32, #tpu.memory_space<hbm>>
    tpu.enqueue_indirect_dma source(%dma_start3A_142 : memref<1000000x32xf32, #tpu.memory_space<hbm>>) target(%dma_start3A_136 : memref<128x32xf32, #tpu.memory_space<vmem>>) offsets(%dma_start3A_139 : memref<128xi32, #tpu.memory_space<vmem>>) semaphore(%arg16 : memref<!tpu.dma_semaphore, #tpu.memory_space<semaphore_mem>>)
    %dma_start3A_143 = arith.constant 3 : i32
    %dma_start3A_144 = arith.constant 384 : i32
    %dma_start3A_145 = arith.constant 0 : i32
    %dma_start3A_146 = tpu.memref_slice %arg12[%dma_start3A_144, %dma_start3A_145] : memref<512x32xf32, #tpu.memory_space<vmem>> -> memref<128x32xf32, #tpu.memory_space<vmem>>
    %dma_start3A_147 = arith.constant 0 : i32
    %dma_start3A_148 = tpu.memref_slice %arg10[%dma_start3A_143, %dma_start3A_147] : memref<4x128xi32, #tpu.memory_space<vmem>> -> memref<1x128xi32, #tpu.memory_space<vmem>>
    %dma_start3A_149 = tpu.memref_squeeze %dma_start3A_148 : memref<1x128xi32, #tpu.memory_space<vmem>> -> memref<128xi32, #tpu.memory_space<vmem>>
    %dma_start3A_150 = arith.constant 0 : i32
    %dma_start3A_151 = arith.constant 0 : i32
    %dma_start3A_152 = tpu.memref_slice %arg5[%dma_start3A_150, %dma_start3A_151] : memref<100000x32xf32, #tpu.memory_space<hbm>> -> memref<100000x32xf32, #tpu.memory_space<hbm>>
    tpu.enqueue_indirect_dma source(%dma_start3A_152 : memref<100000x32xf32, #tpu.memory_space<hbm>>) target(%dma_start3A_146 : memref<128x32xf32, #tpu.memory_space<vmem>>) offsets(%dma_start3A_149 : memref<128xi32, #tpu.memory_space<vmem>>) semaphore(%arg16 : memref<!tpu.dma_semaphore, #tpu.memory_space<semaphore_mem>>)
    %dma_start3A_153 = arith.constant 3 : i32
    %dma_start3A_154 = arith.constant 384 : i32
    %dma_start3A_155 = tpu.memref_slice %arg13[%dma_start3A_154] : memref<512xf32, #tpu.memory_space<vmem>> -> memref<128xf32, #tpu.memory_space<vmem>>
    %dma_start3A_156 = arith.constant 0 : i32
    %dma_start3A_157 = tpu.memref_slice %arg9[%dma_start3A_153, %dma_start3A_156] : memref<4x128xi32, #tpu.memory_space<vmem>> -> memref<1x128xi32, #tpu.memory_space<vmem>>
    %dma_start3A_158 = tpu.memref_squeeze %dma_start3A_157 : memref<1x128xi32, #tpu.memory_space<vmem>> -> memref<128xi32, #tpu.memory_space<vmem>>
    %dma_start3A_159 = arith.constant 0 : i32
    %dma_start3A_160 = tpu.memref_slice %arg6[%dma_start3A_159] : memref<1000000xf32, #tpu.memory_space<hbm>> -> memref<1000000xf32, #tpu.memory_space<hbm>>
    tpu.enqueue_indirect_dma source(%dma_start3A_160 : memref<1000000xf32, #tpu.memory_space<hbm>>) target(%dma_start3A_155 : memref<128xf32, #tpu.memory_space<vmem>>) offsets(%dma_start3A_158 : memref<128xi32, #tpu.memory_space<vmem>>) semaphore(%arg16 : memref<!tpu.dma_semaphore, #tpu.memory_space<semaphore_mem>>)
    %dma_start3A_161 = arith.constant 3 : i32
    %dma_start3A_162 = arith.constant 384 : i32
    %dma_start3A_163 = tpu.memref_slice %arg14[%dma_start3A_162] : memref<512xf32, #tpu.memory_space<vmem>> -> memref<128xf32, #tpu.memory_space<vmem>>
    %dma_start3A_164 = arith.constant 0 : i32
    %dma_start3A_165 = tpu.memref_slice %arg10[%dma_start3A_161, %dma_start3A_164] : memref<4x128xi32, #tpu.memory_space<vmem>> -> memref<1x128xi32, #tpu.memory_space<vmem>>
    %dma_start3A_166 = tpu.memref_squeeze %dma_start3A_165 : memref<1x128xi32, #tpu.memory_space<vmem>> -> memref<128xi32, #tpu.memory_space<vmem>>
    %dma_start3A_167 = arith.constant 0 : i32
    %dma_start3A_168 = tpu.memref_slice %arg7[%dma_start3A_167] : memref<100000xf32, #tpu.memory_space<hbm>> -> memref<100000xf32, #tpu.memory_space<hbm>>
    tpu.enqueue_indirect_dma source(%dma_start3A_168 : memref<100000xf32, #tpu.memory_space<hbm>>) target(%dma_start3A_163 : memref<128xf32, #tpu.memory_space<vmem>>) offsets(%dma_start3A_166 : memref<128xi32, #tpu.memory_space<vmem>>) semaphore(%arg16 : memref<!tpu.dma_semaphore, #tpu.memory_space<semaphore_mem>>)
    %dma_wait3A = arith.constant 0 : i32
    %dma_wait3A_169 = arith.constant 0 : i32
    %dma_wait3A_170 = arith.constant 0 : i32
    %dma_wait3A_171 = tpu.memref_slice %arg11[%dma_wait3A_169, %dma_wait3A_170] : memref<512x32xf32, #tpu.memory_space<vmem>> -> memref<128x32xf32, #tpu.memory_space<vmem>>
    %dma_wait3A_172 = arith.constant 0 : i32
    %dma_wait3A_173 = tpu.memref_slice %arg9[%dma_wait3A, %dma_wait3A_172] : memref<4x128xi32, #tpu.memory_space<vmem>> -> memref<1x128xi32, #tpu.memory_space<vmem>>
    %dma_wait3A_174 = tpu.memref_squeeze %dma_wait3A_173 : memref<1x128xi32, #tpu.memory_space<vmem>> -> memref<128xi32, #tpu.memory_space<vmem>>
    %dma_wait3A_175 = arith.constant 0 : i32
    %dma_wait3A_176 = arith.constant 0 : i32
    %dma_wait3A_177 = tpu.memref_slice %arg4[%dma_wait3A_175, %dma_wait3A_176] : memref<1000000x32xf32, #tpu.memory_space<hbm>> -> memref<1000000x32xf32, #tpu.memory_space<hbm>>
    tpu.wait_indirect_dma semaphore(%arg16 : memref<!tpu.dma_semaphore, #tpu.memory_space<semaphore_mem>>) src(%dma_wait3A_177 : memref<1000000x32xf32, #tpu.memory_space<hbm>>) dst(%dma_wait3A_171 : memref<128x32xf32, #tpu.memory_space<vmem>>)
    %dma_wait3A_178 = arith.constant 0 : i32
    %dma_wait3A_179 = arith.constant 0 : i32
    %dma_wait3A_180 = arith.constant 0 : i32
    %dma_wait3A_181 = tpu.memref_slice %arg12[%dma_wait3A_179, %dma_wait3A_180] : memref<512x32xf32, #tpu.memory_space<vmem>> -> memref<128x32xf32, #tpu.memory_space<vmem>>
    %dma_wait3A_182 = arith.constant 0 : i32
    %dma_wait3A_183 = tpu.memref_slice %arg10[%dma_wait3A_178, %dma_wait3A_182] : memref<4x128xi32, #tpu.memory_space<vmem>> -> memref<1x128xi32, #tpu.memory_space<vmem>>
    %dma_wait3A_184 = tpu.memref_squeeze %dma_wait3A_183 : memref<1x128xi32, #tpu.memory_space<vmem>> -> memref<128xi32, #tpu.memory_space<vmem>>
    %dma_wait3A_185 = arith.constant 0 : i32
    %dma_wait3A_186 = arith.constant 0 : i32
    %dma_wait3A_187 = tpu.memref_slice %arg5[%dma_wait3A_185, %dma_wait3A_186] : memref<100000x32xf32, #tpu.memory_space<hbm>> -> memref<100000x32xf32, #tpu.memory_space<hbm>>
    tpu.wait_indirect_dma semaphore(%arg16 : memref<!tpu.dma_semaphore, #tpu.memory_space<semaphore_mem>>) src(%dma_wait3A_187 : memref<100000x32xf32, #tpu.memory_space<hbm>>) dst(%dma_wait3A_181 : memref<128x32xf32, #tpu.memory_space<vmem>>)
    %dma_wait3A_188 = arith.constant 0 : i32
    %dma_wait3A_189 = arith.constant 0 : i32
    %dma_wait3A_190 = tpu.memref_slice %arg13[%dma_wait3A_189] : memref<512xf32, #tpu.memory_space<vmem>> -> memref<128xf32, #tpu.memory_space<vmem>>
    %dma_wait3A_191 = arith.constant 0 : i32
    %dma_wait3A_192 = tpu.memref_slice %arg9[%dma_wait3A_188, %dma_wait3A_191] : memref<4x128xi32, #tpu.memory_space<vmem>> -> memref<1x128xi32, #tpu.memory_space<vmem>>
    %dma_wait3A_193 = tpu.memref_squeeze %dma_wait3A_192 : memref<1x128xi32, #tpu.memory_space<vmem>> -> memref<128xi32, #tpu.memory_space<vmem>>
    %dma_wait3A_194 = arith.constant 0 : i32
    %dma_wait3A_195 = tpu.memref_slice %arg6[%dma_wait3A_194] : memref<1000000xf32, #tpu.memory_space<hbm>> -> memref<1000000xf32, #tpu.memory_space<hbm>>
    tpu.wait_indirect_dma semaphore(%arg16 : memref<!tpu.dma_semaphore, #tpu.memory_space<semaphore_mem>>) src(%dma_wait3A_195 : memref<1000000xf32, #tpu.memory_space<hbm>>) dst(%dma_wait3A_190 : memref<128xf32, #tpu.memory_space<vmem>>)
    %dma_wait3A_196 = arith.constant 0 : i32
    %dma_wait3A_197 = arith.constant 0 : i32
    %dma_wait3A_198 = tpu.memref_slice %arg14[%dma_wait3A_197] : memref<512xf32, #tpu.memory_space<vmem>> -> memref<128xf32, #tpu.memory_space<vmem>>
    %dma_wait3A_199 = arith.constant 0 : i32
    %dma_wait3A_200 = tpu.memref_slice %arg10[%dma_wait3A_196, %dma_wait3A_199] : memref<4x128xi32, #tpu.memory_space<vmem>> -> memref<1x128xi32, #tpu.memory_space<vmem>>
    %dma_wait3A_201 = tpu.memref_squeeze %dma_wait3A_200 : memref<1x128xi32, #tpu.memory_space<vmem>> -> memref<128xi32, #tpu.memory_space<vmem>>
    %dma_wait3A_202 = arith.constant 0 : i32
    %dma_wait3A_203 = tpu.memref_slice %arg7[%dma_wait3A_202] : memref<100000xf32, #tpu.memory_space<hbm>> -> memref<100000xf32, #tpu.memory_space<hbm>>
    tpu.wait_indirect_dma semaphore(%arg16 : memref<!tpu.dma_semaphore, #tpu.memory_space<semaphore_mem>>) src(%dma_wait3A_203 : memref<100000xf32, #tpu.memory_space<hbm>>) dst(%dma_wait3A_198 : memref<128xf32, #tpu.memory_space<vmem>>)
    %dma_wait3A_204 = arith.constant 1 : i32
    %dma_wait3A_205 = arith.constant 128 : i32
    %dma_wait3A_206 = arith.constant 0 : i32
    %dma_wait3A_207 = tpu.memref_slice %arg11[%dma_wait3A_205, %dma_wait3A_206] : memref<512x32xf32, #tpu.memory_space<vmem>> -> memref<128x32xf32, #tpu.memory_space<vmem>>
    %dma_wait3A_208 = arith.constant 0 : i32
    %dma_wait3A_209 = tpu.memref_slice %arg9[%dma_wait3A_204, %dma_wait3A_208] : memref<4x128xi32, #tpu.memory_space<vmem>> -> memref<1x128xi32, #tpu.memory_space<vmem>>
    %dma_wait3A_210 = tpu.memref_squeeze %dma_wait3A_209 : memref<1x128xi32, #tpu.memory_space<vmem>> -> memref<128xi32, #tpu.memory_space<vmem>>
    %dma_wait3A_211 = arith.constant 0 : i32
    %dma_wait3A_212 = arith.constant 0 : i32
    %dma_wait3A_213 = tpu.memref_slice %arg4[%dma_wait3A_211, %dma_wait3A_212] : memref<1000000x32xf32, #tpu.memory_space<hbm>> -> memref<1000000x32xf32, #tpu.memory_space<hbm>>
    tpu.wait_indirect_dma semaphore(%arg16 : memref<!tpu.dma_semaphore, #tpu.memory_space<semaphore_mem>>) src(%dma_wait3A_213 : memref<1000000x32xf32, #tpu.memory_space<hbm>>) dst(%dma_wait3A_207 : memref<128x32xf32, #tpu.memory_space<vmem>>)
    %dma_wait3A_214 = arith.constant 1 : i32
    %dma_wait3A_215 = arith.constant 128 : i32
    %dma_wait3A_216 = arith.constant 0 : i32
    %dma_wait3A_217 = tpu.memref_slice %arg12[%dma_wait3A_215, %dma_wait3A_216] : memref<512x32xf32, #tpu.memory_space<vmem>> -> memref<128x32xf32, #tpu.memory_space<vmem>>
    %dma_wait3A_218 = arith.constant 0 : i32
    %dma_wait3A_219 = tpu.memref_slice %arg10[%dma_wait3A_214, %dma_wait3A_218] : memref<4x128xi32, #tpu.memory_space<vmem>> -> memref<1x128xi32, #tpu.memory_space<vmem>>
    %dma_wait3A_220 = tpu.memref_squeeze %dma_wait3A_219 : memref<1x128xi32, #tpu.memory_space<vmem>> -> memref<128xi32, #tpu.memory_space<vmem>>
    %dma_wait3A_221 = arith.constant 0 : i32
    %dma_wait3A_222 = arith.constant 0 : i32
    %dma_wait3A_223 = tpu.memref_slice %arg5[%dma_wait3A_221, %dma_wait3A_222] : memref<100000x32xf32, #tpu.memory_space<hbm>> -> memref<100000x32xf32, #tpu.memory_space<hbm>>
    tpu.wait_indirect_dma semaphore(%arg16 : memref<!tpu.dma_semaphore, #tpu.memory_space<semaphore_mem>>) src(%dma_wait3A_223 : memref<100000x32xf32, #tpu.memory_space<hbm>>) dst(%dma_wait3A_217 : memref<128x32xf32, #tpu.memory_space<vmem>>)
    %dma_wait3A_224 = arith.constant 1 : i32
    %dma_wait3A_225 = arith.constant 128 : i32
    %dma_wait3A_226 = tpu.memref_slice %arg13[%dma_wait3A_225] : memref<512xf32, #tpu.memory_space<vmem>> -> memref<128xf32, #tpu.memory_space<vmem>>
    %dma_wait3A_227 = arith.constant 0 : i32
    %dma_wait3A_228 = tpu.memref_slice %arg9[%dma_wait3A_224, %dma_wait3A_227] : memref<4x128xi32, #tpu.memory_space<vmem>> -> memref<1x128xi32, #tpu.memory_space<vmem>>
    %dma_wait3A_229 = tpu.memref_squeeze %dma_wait3A_228 : memref<1x128xi32, #tpu.memory_space<vmem>> -> memref<128xi32, #tpu.memory_space<vmem>>
    %dma_wait3A_230 = arith.constant 0 : i32
    %dma_wait3A_231 = tpu.memref_slice %arg6[%dma_wait3A_230] : memref<1000000xf32, #tpu.memory_space<hbm>> -> memref<1000000xf32, #tpu.memory_space<hbm>>
    tpu.wait_indirect_dma semaphore(%arg16 : memref<!tpu.dma_semaphore, #tpu.memory_space<semaphore_mem>>) src(%dma_wait3A_231 : memref<1000000xf32, #tpu.memory_space<hbm>>) dst(%dma_wait3A_226 : memref<128xf32, #tpu.memory_space<vmem>>)
    %dma_wait3A_232 = arith.constant 1 : i32
    %dma_wait3A_233 = arith.constant 128 : i32
    %dma_wait3A_234 = tpu.memref_slice %arg14[%dma_wait3A_233] : memref<512xf32, #tpu.memory_space<vmem>> -> memref<128xf32, #tpu.memory_space<vmem>>
    %dma_wait3A_235 = arith.constant 0 : i32
    %dma_wait3A_236 = tpu.memref_slice %arg10[%dma_wait3A_232, %dma_wait3A_235] : memref<4x128xi32, #tpu.memory_space<vmem>> -> memref<1x128xi32, #tpu.memory_space<vmem>>
    %dma_wait3A_237 = tpu.memref_squeeze %dma_wait3A_236 : memref<1x128xi32, #tpu.memory_space<vmem>> -> memref<128xi32, #tpu.memory_space<vmem>>
    %dma_wait3A_238 = arith.constant 0 : i32
    %dma_wait3A_239 = tpu.memref_slice %arg7[%dma_wait3A_238] : memref<100000xf32, #tpu.memory_space<hbm>> -> memref<100000xf32, #tpu.memory_space<hbm>>
    tpu.wait_indirect_dma semaphore(%arg16 : memref<!tpu.dma_semaphore, #tpu.memory_space<semaphore_mem>>) src(%dma_wait3A_239 : memref<100000xf32, #tpu.memory_space<hbm>>) dst(%dma_wait3A_234 : memref<128xf32, #tpu.memory_space<vmem>>)
    %dma_wait3A_240 = arith.constant 2 : i32
    %dma_wait3A_241 = arith.constant 256 : i32
    %dma_wait3A_242 = arith.constant 0 : i32
    %dma_wait3A_243 = tpu.memref_slice %arg11[%dma_wait3A_241, %dma_wait3A_242] : memref<512x32xf32, #tpu.memory_space<vmem>> -> memref<128x32xf32, #tpu.memory_space<vmem>>
    %dma_wait3A_244 = arith.constant 0 : i32
    %dma_wait3A_245 = tpu.memref_slice %arg9[%dma_wait3A_240, %dma_wait3A_244] : memref<4x128xi32, #tpu.memory_space<vmem>> -> memref<1x128xi32, #tpu.memory_space<vmem>>
    %dma_wait3A_246 = tpu.memref_squeeze %dma_wait3A_245 : memref<1x128xi32, #tpu.memory_space<vmem>> -> memref<128xi32, #tpu.memory_space<vmem>>
    %dma_wait3A_247 = arith.constant 0 : i32
    %dma_wait3A_248 = arith.constant 0 : i32
    %dma_wait3A_249 = tpu.memref_slice %arg4[%dma_wait3A_247, %dma_wait3A_248] : memref<1000000x32xf32, #tpu.memory_space<hbm>> -> memref<1000000x32xf32, #tpu.memory_space<hbm>>
    tpu.wait_indirect_dma semaphore(%arg16 : memref<!tpu.dma_semaphore, #tpu.memory_space<semaphore_mem>>) src(%dma_wait3A_249 : memref<1000000x32xf32, #tpu.memory_space<hbm>>) dst(%dma_wait3A_243 : memref<128x32xf32, #tpu.memory_space<vmem>>)
    %dma_wait3A_250 = arith.constant 2 : i32
    %dma_wait3A_251 = arith.constant 256 : i32
    %dma_wait3A_252 = arith.constant 0 : i32
    %dma_wait3A_253 = tpu.memref_slice %arg12[%dma_wait3A_251, %dma_wait3A_252] : memref<512x32xf32, #tpu.memory_space<vmem>> -> memref<128x32xf32, #tpu.memory_space<vmem>>
    %dma_wait3A_254 = arith.constant 0 : i32
    %dma_wait3A_255 = tpu.memref_slice %arg10[%dma_wait3A_250, %dma_wait3A_254] : memref<4x128xi32, #tpu.memory_space<vmem>> -> memref<1x128xi32, #tpu.memory_space<vmem>>
    %dma_wait3A_256 = tpu.memref_squeeze %dma_wait3A_255 : memref<1x128xi32, #tpu.memory_space<vmem>> -> memref<128xi32, #tpu.memory_space<vmem>>
    %dma_wait3A_257 = arith.constant 0 : i32
    %dma_wait3A_258 = arith.constant 0 : i32
    %dma_wait3A_259 = tpu.memref_slice %arg5[%dma_wait3A_257, %dma_wait3A_258] : memref<100000x32xf32, #tpu.memory_space<hbm>> -> memref<100000x32xf32, #tpu.memory_space<hbm>>
    tpu.wait_indirect_dma semaphore(%arg16 : memref<!tpu.dma_semaphore, #tpu.memory_space<semaphore_mem>>) src(%dma_wait3A_259 : memref<100000x32xf32, #tpu.memory_space<hbm>>) dst(%dma_wait3A_253 : memref<128x32xf32, #tpu.memory_space<vmem>>)
    %dma_wait3A_260 = arith.constant 2 : i32
    %dma_wait3A_261 = arith.constant 256 : i32
    %dma_wait3A_262 = tpu.memref_slice %arg13[%dma_wait3A_261] : memref<512xf32, #tpu.memory_space<vmem>> -> memref<128xf32, #tpu.memory_space<vmem>>
    %dma_wait3A_263 = arith.constant 0 : i32
    %dma_wait3A_264 = tpu.memref_slice %arg9[%dma_wait3A_260, %dma_wait3A_263] : memref<4x128xi32, #tpu.memory_space<vmem>> -> memref<1x128xi32, #tpu.memory_space<vmem>>
    %dma_wait3A_265 = tpu.memref_squeeze %dma_wait3A_264 : memref<1x128xi32, #tpu.memory_space<vmem>> -> memref<128xi32, #tpu.memory_space<vmem>>
    %dma_wait3A_266 = arith.constant 0 : i32
    %dma_wait3A_267 = tpu.memref_slice %arg6[%dma_wait3A_266] : memref<1000000xf32, #tpu.memory_space<hbm>> -> memref<1000000xf32, #tpu.memory_space<hbm>>
    tpu.wait_indirect_dma semaphore(%arg16 : memref<!tpu.dma_semaphore, #tpu.memory_space<semaphore_mem>>) src(%dma_wait3A_267 : memref<1000000xf32, #tpu.memory_space<hbm>>) dst(%dma_wait3A_262 : memref<128xf32, #tpu.memory_space<vmem>>)
    %dma_wait3A_268 = arith.constant 2 : i32
    %dma_wait3A_269 = arith.constant 256 : i32
    %dma_wait3A_270 = tpu.memref_slice %arg14[%dma_wait3A_269] : memref<512xf32, #tpu.memory_space<vmem>> -> memref<128xf32, #tpu.memory_space<vmem>>
    %dma_wait3A_271 = arith.constant 0 : i32
    %dma_wait3A_272 = tpu.memref_slice %arg10[%dma_wait3A_268, %dma_wait3A_271] : memref<4x128xi32, #tpu.memory_space<vmem>> -> memref<1x128xi32, #tpu.memory_space<vmem>>
    %dma_wait3A_273 = tpu.memref_squeeze %dma_wait3A_272 : memref<1x128xi32, #tpu.memory_space<vmem>> -> memref<128xi32, #tpu.memory_space<vmem>>
    %dma_wait3A_274 = arith.constant 0 : i32
    %dma_wait3A_275 = tpu.memref_slice %arg7[%dma_wait3A_274] : memref<100000xf32, #tpu.memory_space<hbm>> -> memref<100000xf32, #tpu.memory_space<hbm>>
    tpu.wait_indirect_dma semaphore(%arg16 : memref<!tpu.dma_semaphore, #tpu.memory_space<semaphore_mem>>) src(%dma_wait3A_275 : memref<100000xf32, #tpu.memory_space<hbm>>) dst(%dma_wait3A_270 : memref<128xf32, #tpu.memory_space<vmem>>)
    %dma_wait3A_276 = arith.constant 3 : i32
    %dma_wait3A_277 = arith.constant 384 : i32
    %dma_wait3A_278 = arith.constant 0 : i32
    %dma_wait3A_279 = tpu.memref_slice %arg11[%dma_wait3A_277, %dma_wait3A_278] : memref<512x32xf32, #tpu.memory_space<vmem>> -> memref<128x32xf32, #tpu.memory_space<vmem>>
    %dma_wait3A_280 = arith.constant 0 : i32
    %dma_wait3A_281 = tpu.memref_slice %arg9[%dma_wait3A_276, %dma_wait3A_280] : memref<4x128xi32, #tpu.memory_space<vmem>> -> memref<1x128xi32, #tpu.memory_space<vmem>>
    %dma_wait3A_282 = tpu.memref_squeeze %dma_wait3A_281 : memref<1x128xi32, #tpu.memory_space<vmem>> -> memref<128xi32, #tpu.memory_space<vmem>>
    %dma_wait3A_283 = arith.constant 0 : i32
    %dma_wait3A_284 = arith.constant 0 : i32
    %dma_wait3A_285 = tpu.memref_slice %arg4[%dma_wait3A_283, %dma_wait3A_284] : memref<1000000x32xf32, #tpu.memory_space<hbm>> -> memref<1000000x32xf32, #tpu.memory_space<hbm>>
    tpu.wait_indirect_dma semaphore(%arg16 : memref<!tpu.dma_semaphore, #tpu.memory_space<semaphore_mem>>) src(%dma_wait3A_285 : memref<1000000x32xf32, #tpu.memory_space<hbm>>) dst(%dma_wait3A_279 : memref<128x32xf32, #tpu.memory_space<vmem>>)
    %dma_wait3A_286 = arith.constant 3 : i32
    %dma_wait3A_287 = arith.constant 384 : i32
    %dma_wait3A_288 = arith.constant 0 : i32
    %dma_wait3A_289 = tpu.memref_slice %arg12[%dma_wait3A_287, %dma_wait3A_288] : memref<512x32xf32, #tpu.memory_space<vmem>> -> memref<128x32xf32, #tpu.memory_space<vmem>>
    %dma_wait3A_290 = arith.constant 0 : i32
    %dma_wait3A_291 = tpu.memref_slice %arg10[%dma_wait3A_286, %dma_wait3A_290] : memref<4x128xi32, #tpu.memory_space<vmem>> -> memref<1x128xi32, #tpu.memory_space<vmem>>
    %dma_wait3A_292 = tpu.memref_squeeze %dma_wait3A_291 : memref<1x128xi32, #tpu.memory_space<vmem>> -> memref<128xi32, #tpu.memory_space<vmem>>
    %dma_wait3A_293 = arith.constant 0 : i32
    %dma_wait3A_294 = arith.constant 0 : i32
    %dma_wait3A_295 = tpu.memref_slice %arg5[%dma_wait3A_293, %dma_wait3A_294] : memref<100000x32xf32, #tpu.memory_space<hbm>> -> memref<100000x32xf32, #tpu.memory_space<hbm>>
    tpu.wait_indirect_dma semaphore(%arg16 : memref<!tpu.dma_semaphore, #tpu.memory_space<semaphore_mem>>) src(%dma_wait3A_295 : memref<100000x32xf32, #tpu.memory_space<hbm>>) dst(%dma_wait3A_289 : memref<128x32xf32, #tpu.memory_space<vmem>>)
    %dma_wait3A_296 = arith.constant 3 : i32
    %dma_wait3A_297 = arith.constant 384 : i32
    %dma_wait3A_298 = tpu.memref_slice %arg13[%dma_wait3A_297] : memref<512xf32, #tpu.memory_space<vmem>> -> memref<128xf32, #tpu.memory_space<vmem>>
    %dma_wait3A_299 = arith.constant 0 : i32
    %dma_wait3A_300 = tpu.memref_slice %arg9[%dma_wait3A_296, %dma_wait3A_299] : memref<4x128xi32, #tpu.memory_space<vmem>> -> memref<1x128xi32, #tpu.memory_space<vmem>>
    %dma_wait3A_301 = tpu.memref_squeeze %dma_wait3A_300 : memref<1x128xi32, #tpu.memory_space<vmem>> -> memref<128xi32, #tpu.memory_space<vmem>>
    %dma_wait3A_302 = arith.constant 0 : i32
    %dma_wait3A_303 = tpu.memref_slice %arg6[%dma_wait3A_302] : memref<1000000xf32, #tpu.memory_space<hbm>> -> memref<1000000xf32, #tpu.memory_space<hbm>>
    tpu.wait_indirect_dma semaphore(%arg16 : memref<!tpu.dma_semaphore, #tpu.memory_space<semaphore_mem>>) src(%dma_wait3A_303 : memref<1000000xf32, #tpu.memory_space<hbm>>) dst(%dma_wait3A_298 : memref<128xf32, #tpu.memory_space<vmem>>)
    %dma_wait3A_304 = arith.constant 3 : i32
    %dma_wait3A_305 = arith.constant 384 : i32
    %dma_wait3A_306 = tpu.memref_slice %arg14[%dma_wait3A_305] : memref<512xf32, #tpu.memory_space<vmem>> -> memref<128xf32, #tpu.memory_space<vmem>>
    %dma_wait3A_307 = arith.constant 0 : i32
    %dma_wait3A_308 = tpu.memref_slice %arg10[%dma_wait3A_304, %dma_wait3A_307] : memref<4x128xi32, #tpu.memory_space<vmem>> -> memref<1x128xi32, #tpu.memory_space<vmem>>
    %dma_wait3A_309 = tpu.memref_squeeze %dma_wait3A_308 : memref<1x128xi32, #tpu.memory_space<vmem>> -> memref<128xi32, #tpu.memory_space<vmem>>
    %dma_wait3A_310 = arith.constant 0 : i32
    %dma_wait3A_311 = tpu.memref_slice %arg7[%dma_wait3A_310] : memref<100000xf32, #tpu.memory_space<hbm>> -> memref<100000xf32, #tpu.memory_space<hbm>>
    tpu.wait_indirect_dma semaphore(%arg16 : memref<!tpu.dma_semaphore, #tpu.memory_space<semaphore_mem>>) src(%dma_wait3A_311 : memref<100000xf32, #tpu.memory_space<hbm>>) dst(%dma_wait3A_306 : memref<128xf32, #tpu.memory_space<vmem>>)
    %iota3A = tpu.iota {dimensions = array<i32: 0>} : vector<16xi32>
    %scan3A = arith.constant 0 : i32
    %scan3A_312 = arith.constant 0 : i32
    %scan3A_313 = arith.constant 32 : i32
    %scan3A_314 = arith.addi %scan3A_312, %scan3A_313 : i32
    %scan3A_315 = arith.constant 1 : i32
    scf.for %scan3A_317 = %scan3A_312 to %scan3A_314 step %scan3A_315  : i32 {
      %mul3A_318 = arith.constant 16 : i32
      %mul3A_319 = arith.muli %scan3A_317, %mul3A_318 : i32
      %get3A = arith.index_cast %mul3A_319 : i32 to index
      %get3A_320 = tpu.vector_load %arg13[%get3A] {strides = array<i32>} : memref<512xf32, #tpu.memory_space<vmem>>, vector<16xf32>,
      %get3A_321 = arith.index_cast %mul3A_319 : i32 to index
      %get3A_322 = tpu.vector_load %arg14[%get3A_321] {strides = array<i32>} : memref<512xf32, #tpu.memory_space<vmem>>, vector<16xf32>,
      %add3A_323 = arith.addf %get3A_320, %get3A_322 : vector<16xf32>
      %add3A_324 = arith.constant 0 : i32
      %add3A_325 = arith.addi %mul3A_319, %add3A_324 : i32
      %get3A_326 = arith.index_cast %add3A_325 : i32 to index
      %get3A_327 = arith.constant 0 : index
      %get3A_328 = tpu.vector_load %arg11[%get3A_326, %get3A_327] {strides = array<i32>} : memref<512x32xf32, #tpu.memory_space<vmem>>, vector<16xf32>,
      %get3A_329 = arith.index_cast %add3A_325 : i32 to index
      %get3A_330 = arith.constant 16 : index
      %get3A_331 = tpu.vector_load %arg11[%get3A_329, %get3A_330] {strides = array<i32>} : memref<512x32xf32, #tpu.memory_space<vmem>>, vector<16xf32>,
      %get3A_332 = arith.index_cast %add3A_325 : i32 to index
      %get3A_333 = arith.constant 0 : index
      %get3A_334 = tpu.vector_load %arg12[%get3A_332, %get3A_333] {strides = array<i32>} : memref<512x32xf32, #tpu.memory_space<vmem>>, vector<16xf32>,
      %get3A_335 = arith.index_cast %add3A_325 : i32 to index
      %get3A_336 = arith.constant 16 : index
      %get3A_337 = tpu.vector_load %arg12[%get3A_335, %get3A_336] {strides = array<i32>} : memref<512x32xf32, #tpu.memory_space<vmem>>, vector<16xf32>,
      %mul3A_338 = arith.mulf %get3A_328, %get3A_334 : vector<16xf32>
      %mul3A_339 = arith.mulf %get3A_331, %get3A_337 : vector<16xf32>
      %add3A_340 = arith.addf %mul3A_338, %mul3A_339 : vector<16xf32>
      %eq3A = arith.constant 0 : i32
      %eq3A_341 = vector.broadcast %eq3A : i32 to vector<16xi32>
      %eq3A_342 = arith.cmpi eq, %iota3A, %eq3A_341 : vector<16xi32>
      %reduce_sum3A = arith.constant true
      %reduce_sum3A_343 = vector.broadcast %reduce_sum3A : i1 to vector<16xi1>
      %reduce_sum3A_344 = tpu.scan <sum>, %add3A_340 masked %reduce_sum3A_343 : vector<16xf32>, vector<16xi1> -> vector<16xf32>
      %reduce_sum3A_345 = vector.extract %reduce_sum3A_344[15] : f32 from vector<16xf32>
      %jit3A = arith.constant 0.000000e+00 : f32
      %broadcast_in_dim3A = vector.broadcast %reduce_sum3A_345 : f32 to vector<16xf32>
      %broadcast_in_dim3A_346 = vector.broadcast %jit3A : f32 to vector<16xf32>
      %select_n3A = arith.select %eq3A_342, %broadcast_in_dim3A, %broadcast_in_dim3A_346 : vector<16xi1>, vector<16xf32>
      %add3A_347 = arith.addf %add3A_323, %select_n3A : vector<16xf32>
      %add3A_348 = arith.constant 1 : i32
      %add3A_349 = arith.addi %mul3A_319, %add3A_348 : i32
      %get3A_350 = arith.index_cast %add3A_349 : i32 to index
      %get3A_351 = arith.constant 0 : index
      %get3A_352 = tpu.vector_load %arg11[%get3A_350, %get3A_351] {strides = array<i32>} : memref<512x32xf32, #tpu.memory_space<vmem>>, vector<16xf32>,
      %get3A_353 = arith.index_cast %add3A_349 : i32 to index
      %get3A_354 = arith.constant 16 : index
      %get3A_355 = tpu.vector_load %arg11[%get3A_353, %get3A_354] {strides = array<i32>} : memref<512x32xf32, #tpu.memory_space<vmem>>, vector<16xf32>,
      %get3A_356 = arith.index_cast %add3A_349 : i32 to index
      %get3A_357 = arith.constant 0 : index
      %get3A_358 = tpu.vector_load %arg12[%get3A_356, %get3A_357] {strides = array<i32>} : memref<512x32xf32, #tpu.memory_space<vmem>>, vector<16xf32>,
      %get3A_359 = arith.index_cast %add3A_349 : i32 to index
      %get3A_360 = arith.constant 16 : index
      %get3A_361 = tpu.vector_load %arg12[%get3A_359, %get3A_360] {strides = array<i32>} : memref<512x32xf32, #tpu.memory_space<vmem>>, vector<16xf32>,
      %mul3A_362 = arith.mulf %get3A_352, %get3A_358 : vector<16xf32>
      %mul3A_363 = arith.mulf %get3A_355, %get3A_361 : vector<16xf32>
      %add3A_364 = arith.addf %mul3A_362, %mul3A_363 : vector<16xf32>
      %eq3A_365 = arith.constant 1 : i32
      %eq3A_366 = vector.broadcast %eq3A_365 : i32 to vector<16xi32>
      %eq3A_367 = arith.cmpi eq, %iota3A, %eq3A_366 : vector<16xi32>
      %reduce_sum3A_368 = arith.constant true
      %reduce_sum3A_369 = vector.broadcast %reduce_sum3A_368 : i1 to vector<16xi1>
      %reduce_sum3A_370 = tpu.scan <sum>, %add3A_364 masked %reduce_sum3A_369 : vector<16xf32>, vector<16xi1> -> vector<16xf32>
      %reduce_sum3A_371 = vector.extract %reduce_sum3A_370[15] : f32 from vector<16xf32>
      %jit3A_372 = arith.constant 0.000000e+00 : f32
      %broadcast_in_dim3A_373 = vector.broadcast %reduce_sum3A_371 : f32 to vector<16xf32>
      %broadcast_in_dim3A_374 = vector.broadcast %jit3A_372 : f32 to vector<16xf32>
      %select_n3A_375 = arith.select %eq3A_367, %broadcast_in_dim3A_373, %broadcast_in_dim3A_374 : vector<16xi1>, vector<16xf32>
      %add3A_376 = arith.addf %add3A_347, %select_n3A_375 : vector<16xf32>
      %add3A_377 = arith.constant 2 : i32
      %add3A_378 = arith.addi %mul3A_319, %add3A_377 : i32
      %get3A_379 = arith.index_cast %add3A_378 : i32 to index
      %get3A_380 = arith.constant 0 : index
      %get3A_381 = tpu.vector_load %arg11[%get3A_379, %get3A_380] {strides = array<i32>} : memref<512x32xf32, #tpu.memory_space<vmem>>, vector<16xf32>,
      %get3A_382 = arith.index_cast %add3A_378 : i32 to index
      %get3A_383 = arith.constant 16 : index
      %get3A_384 = tpu.vector_load %arg11[%get3A_382, %get3A_383] {strides = array<i32>} : memref<512x32xf32, #tpu.memory_space<vmem>>, vector<16xf32>,
      %get3A_385 = arith.index_cast %add3A_378 : i32 to index
      %get3A_386 = arith.constant 0 : index
      %get3A_387 = tpu.vector_load %arg12[%get3A_385, %get3A_386] {strides = array<i32>} : memref<512x32xf32, #tpu.memory_space<vmem>>, vector<16xf32>,
      %get3A_388 = arith.index_cast %add3A_378 : i32 to index
      %get3A_389 = arith.constant 16 : index
      %get3A_390 = tpu.vector_load %arg12[%get3A_388, %get3A_389] {strides = array<i32>} : memref<512x32xf32, #tpu.memory_space<vmem>>, vector<16xf32>,
      %mul3A_391 = arith.mulf %get3A_381, %get3A_387 : vector<16xf32>
      %mul3A_392 = arith.mulf %get3A_384, %get3A_390 : vector<16xf32>
      %add3A_393 = arith.addf %mul3A_391, %mul3A_392 : vector<16xf32>
      %eq3A_394 = arith.constant 2 : i32
      %eq3A_395 = vector.broadcast %eq3A_394 : i32 to vector<16xi32>
      %eq3A_396 = arith.cmpi eq, %iota3A, %eq3A_395 : vector<16xi32>
      %reduce_sum3A_397 = arith.constant true
      %reduce_sum3A_398 = vector.broadcast %reduce_sum3A_397 : i1 to vector<16xi1>
      %reduce_sum3A_399 = tpu.scan <sum>, %add3A_393 masked %reduce_sum3A_398 : vector<16xf32>, vector<16xi1> -> vector<16xf32>
      %reduce_sum3A_400 = vector.extract %reduce_sum3A_399[15] : f32 from vector<16xf32>
      %jit3A_401 = arith.constant 0.000000e+00 : f32
      %broadcast_in_dim3A_402 = vector.broadcast %reduce_sum3A_400 : f32 to vector<16xf32>
      %broadcast_in_dim3A_403 = vector.broadcast %jit3A_401 : f32 to vector<16xf32>
      %select_n3A_404 = arith.select %eq3A_396, %broadcast_in_dim3A_402, %broadcast_in_dim3A_403 : vector<16xi1>, vector<16xf32>
      %add3A_405 = arith.addf %add3A_376, %select_n3A_404 : vector<16xf32>
      %add3A_406 = arith.constant 3 : i32
      %add3A_407 = arith.addi %mul3A_319, %add3A_406 : i32
      %get3A_408 = arith.index_cast %add3A_407 : i32 to index
      %get3A_409 = arith.constant 0 : index
      %get3A_410 = tpu.vector_load %arg11[%get3A_408, %get3A_409] {strides = array<i32>} : memref<512x32xf32, #tpu.memory_space<vmem>>, vector<16xf32>,
      %get3A_411 = arith.index_cast %add3A_407 : i32 to index
      %get3A_412 = arith.constant 16 : index
      %get3A_413 = tpu.vector_load %arg11[%get3A_411, %get3A_412] {strides = array<i32>} : memref<512x32xf32, #tpu.memory_space<vmem>>, vector<16xf32>,
      %get3A_414 = arith.index_cast %add3A_407 : i32 to index
      %get3A_415 = arith.constant 0 : index
      %get3A_416 = tpu.vector_load %arg12[%get3A_414, %get3A_415] {strides = array<i32>} : memref<512x32xf32, #tpu.memory_space<vmem>>, vector<16xf32>,
      %get3A_417 = arith.index_cast %add3A_407 : i32 to index
      %get3A_418 = arith.constant 16 : index
      %get3A_419 = tpu.vector_load %arg12[%get3A_417, %get3A_418] {strides = array<i32>} : memref<512x32xf32, #tpu.memory_space<vmem>>, vector<16xf32>,
      %mul3A_420 = arith.mulf %get3A_410, %get3A_416 : vector<16xf32>
      %mul3A_421 = arith.mulf %get3A_413, %get3A_419 : vector<16xf32>
      %add3A_422 = arith.addf %mul3A_420, %mul3A_421 : vector<16xf32>
      %eq3A_423 = arith.constant 3 : i32
      %eq3A_424 = vector.broadcast %eq3A_423 : i32 to vector<16xi32>
      %eq3A_425 = arith.cmpi eq, %iota3A, %eq3A_424 : vector<16xi32>
      %reduce_sum3A_426 = arith.constant true
      %reduce_sum3A_427 = vector.broadcast %reduce_sum3A_426 : i1 to vector<16xi1>
      %reduce_sum3A_428 = tpu.scan <sum>, %add3A_422 masked %reduce_sum3A_427 : vector<16xf32>, vector<16xi1> -> vector<16xf32>
      %reduce_sum3A_429 = vector.extract %reduce_sum3A_428[15] : f32 from vector<16xf32>
      %jit3A_430 = arith.constant 0.000000e+00 : f32
      %broadcast_in_dim3A_431 = vector.broadcast %reduce_sum3A_429 : f32 to vector<16xf32>
      %broadcast_in_dim3A_432 = vector.broadcast %jit3A_430 : f32 to vector<16xf32>
      %select_n3A_433 = arith.select %eq3A_425, %broadcast_in_dim3A_431, %broadcast_in_dim3A_432 : vector<16xi1>, vector<16xf32>
      %add3A_434 = arith.addf %add3A_405, %select_n3A_433 : vector<16xf32>
      %add3A_435 = arith.constant 4 : i32
      %add3A_436 = arith.addi %mul3A_319, %add3A_435 : i32
      %get3A_437 = arith.index_cast %add3A_436 : i32 to index
      %get3A_438 = arith.constant 0 : index
      %get3A_439 = tpu.vector_load %arg11[%get3A_437, %get3A_438] {strides = array<i32>} : memref<512x32xf32, #tpu.memory_space<vmem>>, vector<16xf32>,
      %get3A_440 = arith.index_cast %add3A_436 : i32 to index
      %get3A_441 = arith.constant 16 : index
      %get3A_442 = tpu.vector_load %arg11[%get3A_440, %get3A_441] {strides = array<i32>} : memref<512x32xf32, #tpu.memory_space<vmem>>, vector<16xf32>,
      %get3A_443 = arith.index_cast %add3A_436 : i32 to index
      %get3A_444 = arith.constant 0 : index
      %get3A_445 = tpu.vector_load %arg12[%get3A_443, %get3A_444] {strides = array<i32>} : memref<512x32xf32, #tpu.memory_space<vmem>>, vector<16xf32>,
      %get3A_446 = arith.index_cast %add3A_436 : i32 to index
      %get3A_447 = arith.constant 16 : index
      %get3A_448 = tpu.vector_load %arg12[%get3A_446, %get3A_447] {strides = array<i32>} : memref<512x32xf32, #tpu.memory_space<vmem>>, vector<16xf32>,
      %mul3A_449 = arith.mulf %get3A_439, %get3A_445 : vector<16xf32>
      %mul3A_450 = arith.mulf %get3A_442, %get3A_448 : vector<16xf32>
      %add3A_451 = arith.addf %mul3A_449, %mul3A_450 : vector<16xf32>
      %eq3A_452 = arith.constant 4 : i32
      %eq3A_453 = vector.broadcast %eq3A_452 : i32 to vector<16xi32>
      %eq3A_454 = arith.cmpi eq, %iota3A, %eq3A_453 : vector<16xi32>
      %reduce_sum3A_455 = arith.constant true
      %reduce_sum3A_456 = vector.broadcast %reduce_sum3A_455 : i1 to vector<16xi1>
      %reduce_sum3A_457 = tpu.scan <sum>, %add3A_451 masked %reduce_sum3A_456 : vector<16xf32>, vector<16xi1> -> vector<16xf32>
      %reduce_sum3A_458 = vector.extract %reduce_sum3A_457[15] : f32 from vector<16xf32>
      %jit3A_459 = arith.constant 0.000000e+00 : f32
      %broadcast_in_dim3A_460 = vector.broadcast %reduce_sum3A_458 : f32 to vector<16xf32>
      %broadcast_in_dim3A_461 = vector.broadcast %jit3A_459 : f32 to vector<16xf32>
      %select_n3A_462 = arith.select %eq3A_454, %broadcast_in_dim3A_460, %broadcast_in_dim3A_461 : vector<16xi1>, vector<16xf32>
      %add3A_463 = arith.addf %add3A_434, %select_n3A_462 : vector<16xf32>
      %add3A_464 = arith.constant 5 : i32
      %add3A_465 = arith.addi %mul3A_319, %add3A_464 : i32
      %get3A_466 = arith.index_cast %add3A_465 : i32 to index
      %get3A_467 = arith.constant 0 : index
      %get3A_468 = tpu.vector_load %arg11[%get3A_466, %get3A_467] {strides = array<i32>} : memref<512x32xf32, #tpu.memory_space<vmem>>, vector<16xf32>,
      %get3A_469 = arith.index_cast %add3A_465 : i32 to index
      %get3A_470 = arith.constant 16 : index
      %get3A_471 = tpu.vector_load %arg11[%get3A_469, %get3A_470] {strides = array<i32>} : memref<512x32xf32, #tpu.memory_space<vmem>>, vector<16xf32>,
      %get3A_472 = arith.index_cast %add3A_465 : i32 to index
      %get3A_473 = arith.constant 0 : index
      %get3A_474 = tpu.vector_load %arg12[%get3A_472, %get3A_473] {strides = array<i32>} : memref<512x32xf32, #tpu.memory_space<vmem>>, vector<16xf32>,
      %get3A_475 = arith.index_cast %add3A_465 : i32 to index
      %get3A_476 = arith.constant 16 : index
      %get3A_477 = tpu.vector_load %arg12[%get3A_475, %get3A_476] {strides = array<i32>} : memref<512x32xf32, #tpu.memory_space<vmem>>, vector<16xf32>,
      %mul3A_478 = arith.mulf %get3A_468, %get3A_474 : vector<16xf32>
      %mul3A_479 = arith.mulf %get3A_471, %get3A_477 : vector<16xf32>
      %add3A_480 = arith.addf %mul3A_478, %mul3A_479 : vector<16xf32>
      %eq3A_481 = arith.constant 5 : i32
      %eq3A_482 = vector.broadcast %eq3A_481 : i32 to vector<16xi32>
      %eq3A_483 = arith.cmpi eq, %iota3A, %eq3A_482 : vector<16xi32>
      %reduce_sum3A_484 = arith.constant true
      %reduce_sum3A_485 = vector.broadcast %reduce_sum3A_484 : i1 to vector<16xi1>
      %reduce_sum3A_486 = tpu.scan <sum>, %add3A_480 masked %reduce_sum3A_485 : vector<16xf32>, vector<16xi1> -> vector<16xf32>
      %reduce_sum3A_487 = vector.extract %reduce_sum3A_486[15] : f32 from vector<16xf32>
      %jit3A_488 = arith.constant 0.000000e+00 : f32
      %broadcast_in_dim3A_489 = vector.broadcast %reduce_sum3A_487 : f32 to vector<16xf32>
      %broadcast_in_dim3A_490 = vector.broadcast %jit3A_488 : f32 to vector<16xf32>
      %select_n3A_491 = arith.select %eq3A_483, %broadcast_in_dim3A_489, %broadcast_in_dim3A_490 : vector<16xi1>, vector<16xf32>
      %add3A_492 = arith.addf %add3A_463, %select_n3A_491 : vector<16xf32>
      %add3A_493 = arith.constant 6 : i32
      %add3A_494 = arith.addi %mul3A_319, %add3A_493 : i32
      %get3A_495 = arith.index_cast %add3A_494 : i32 to index
      %get3A_496 = arith.constant 0 : index
      %get3A_497 = tpu.vector_load %arg11[%get3A_495, %get3A_496] {strides = array<i32>} : memref<512x32xf32, #tpu.memory_space<vmem>>, vector<16xf32>,
      %get3A_498 = arith.index_cast %add3A_494 : i32 to index
      %get3A_499 = arith.constant 16 : index
      %get3A_500 = tpu.vector_load %arg11[%get3A_498, %get3A_499] {strides = array<i32>} : memref<512x32xf32, #tpu.memory_space<vmem>>, vector<16xf32>,
      %get3A_501 = arith.index_cast %add3A_494 : i32 to index
      %get3A_502 = arith.constant 0 : index
      %get3A_503 = tpu.vector_load %arg12[%get3A_501, %get3A_502] {strides = array<i32>} : memref<512x32xf32, #tpu.memory_space<vmem>>, vector<16xf32>,
      %get3A_504 = arith.index_cast %add3A_494 : i32 to index
      %get3A_505 = arith.constant 16 : index
      %get3A_506 = tpu.vector_load %arg12[%get3A_504, %get3A_505] {strides = array<i32>} : memref<512x32xf32, #tpu.memory_space<vmem>>, vector<16xf32>,
      %mul3A_507 = arith.mulf %get3A_497, %get3A_503 : vector<16xf32>
      %mul3A_508 = arith.mulf %get3A_500, %get3A_506 : vector<16xf32>
      %add3A_509 = arith.addf %mul3A_507, %mul3A_508 : vector<16xf32>
      %eq3A_510 = arith.constant 6 : i32
      %eq3A_511 = vector.broadcast %eq3A_510 : i32 to vector<16xi32>
      %eq3A_512 = arith.cmpi eq, %iota3A, %eq3A_511 : vector<16xi32>
      %reduce_sum3A_513 = arith.constant true
      %reduce_sum3A_514 = vector.broadcast %reduce_sum3A_513 : i1 to vector<16xi1>
      %reduce_sum3A_515 = tpu.scan <sum>, %add3A_509 masked %reduce_sum3A_514 : vector<16xf32>, vector<16xi1> -> vector<16xf32>
      %reduce_sum3A_516 = vector.extract %reduce_sum3A_515[15] : f32 from vector<16xf32>
      %jit3A_517 = arith.constant 0.000000e+00 : f32
      %broadcast_in_dim3A_518 = vector.broadcast %reduce_sum3A_516 : f32 to vector<16xf32>
      %broadcast_in_dim3A_519 = vector.broadcast %jit3A_517 : f32 to vector<16xf32>
      %select_n3A_520 = arith.select %eq3A_512, %broadcast_in_dim3A_518, %broadcast_in_dim3A_519 : vector<16xi1>, vector<16xf32>
      %add3A_521 = arith.addf %add3A_492, %select_n3A_520 : vector<16xf32>
      %add3A_522 = arith.constant 7 : i32
      %add3A_523 = arith.addi %mul3A_319, %add3A_522 : i32
      %get3A_524 = arith.index_cast %add3A_523 : i32 to index
      %get3A_525 = arith.constant 0 : index
      %get3A_526 = tpu.vector_load %arg11[%get3A_524, %get3A_525] {strides = array<i32>} : memref<512x32xf32, #tpu.memory_space<vmem>>, vector<16xf32>,
      %get3A_527 = arith.index_cast %add3A_523 : i32 to index
      %get3A_528 = arith.constant 16 : index
      %get3A_529 = tpu.vector_load %arg11[%get3A_527, %get3A_528] {strides = array<i32>} : memref<512x32xf32, #tpu.memory_space<vmem>>, vector<16xf32>,
      %get3A_530 = arith.index_cast %add3A_523 : i32 to index
      %get3A_531 = arith.constant 0 : index
      %get3A_532 = tpu.vector_load %arg12[%get3A_530, %get3A_531] {strides = array<i32>} : memref<512x32xf32, #tpu.memory_space<vmem>>, vector<16xf32>,
      %get3A_533 = arith.index_cast %add3A_523 : i32 to index
      %get3A_534 = arith.constant 16 : index
      %get3A_535 = tpu.vector_load %arg12[%get3A_533, %get3A_534] {strides = array<i32>} : memref<512x32xf32, #tpu.memory_space<vmem>>, vector<16xf32>,
      %mul3A_536 = arith.mulf %get3A_526, %get3A_532 : vector<16xf32>
      %mul3A_537 = arith.mulf %get3A_529, %get3A_535 : vector<16xf32>
      %add3A_538 = arith.addf %mul3A_536, %mul3A_537 : vector<16xf32>
      %eq3A_539 = arith.constant 7 : i32
      %eq3A_540 = vector.broadcast %eq3A_539 : i32 to vector<16xi32>
      %eq3A_541 = arith.cmpi eq, %iota3A, %eq3A_540 : vector<16xi32>
      %reduce_sum3A_542 = arith.constant true
      %reduce_sum3A_543 = vector.broadcast %reduce_sum3A_542 : i1 to vector<16xi1>
      %reduce_sum3A_544 = tpu.scan <sum>, %add3A_538 masked %reduce_sum3A_543 : vector<16xf32>, vector<16xi1> -> vector<16xf32>
      %reduce_sum3A_545 = vector.extract %reduce_sum3A_544[15] : f32 from vector<16xf32>
      %jit3A_546 = arith.constant 0.000000e+00 : f32
      %broadcast_in_dim3A_547 = vector.broadcast %reduce_sum3A_545 : f32 to vector<16xf32>
      %broadcast_in_dim3A_548 = vector.broadcast %jit3A_546 : f32 to vector<16xf32>
      %select_n3A_549 = arith.select %eq3A_541, %broadcast_in_dim3A_547, %broadcast_in_dim3A_548 : vector<16xi1>, vector<16xf32>
      %add3A_550 = arith.addf %add3A_521, %select_n3A_549 : vector<16xf32>
      %add3A_551 = arith.constant 8 : i32
      %add3A_552 = arith.addi %mul3A_319, %add3A_551 : i32
      %get3A_553 = arith.index_cast %add3A_552 : i32 to index
      %get3A_554 = arith.constant 0 : index
      %get3A_555 = tpu.vector_load %arg11[%get3A_553, %get3A_554] {strides = array<i32>} : memref<512x32xf32, #tpu.memory_space<vmem>>, vector<16xf32>,
      %get3A_556 = arith.index_cast %add3A_552 : i32 to index
      %get3A_557 = arith.constant 16 : index
      %get3A_558 = tpu.vector_load %arg11[%get3A_556, %get3A_557] {strides = array<i32>} : memref<512x32xf32, #tpu.memory_space<vmem>>, vector<16xf32>,
      %get3A_559 = arith.index_cast %add3A_552 : i32 to index
      %get3A_560 = arith.constant 0 : index
      %get3A_561 = tpu.vector_load %arg12[%get3A_559, %get3A_560] {strides = array<i32>} : memref<512x32xf32, #tpu.memory_space<vmem>>, vector<16xf32>,
      %get3A_562 = arith.index_cast %add3A_552 : i32 to index
      %get3A_563 = arith.constant 16 : index
      %get3A_564 = tpu.vector_load %arg12[%get3A_562, %get3A_563] {strides = array<i32>} : memref<512x32xf32, #tpu.memory_space<vmem>>, vector<16xf32>,
      %mul3A_565 = arith.mulf %get3A_555, %get3A_561 : vector<16xf32>
      %mul3A_566 = arith.mulf %get3A_558, %get3A_564 : vector<16xf32>
      %add3A_567 = arith.addf %mul3A_565, %mul3A_566 : vector<16xf32>
      %eq3A_568 = arith.constant 8 : i32
      %eq3A_569 = vector.broadcast %eq3A_568 : i32 to vector<16xi32>
      %eq3A_570 = arith.cmpi eq, %iota3A, %eq3A_569 : vector<16xi32>
      %reduce_sum3A_571 = arith.constant true
      %reduce_sum3A_572 = vector.broadcast %reduce_sum3A_571 : i1 to vector<16xi1>
      %reduce_sum3A_573 = tpu.scan <sum>, %add3A_567 masked %reduce_sum3A_572 : vector<16xf32>, vector<16xi1> -> vector<16xf32>
      %reduce_sum3A_574 = vector.extract %reduce_sum3A_573[15] : f32 from vector<16xf32>
      %jit3A_575 = arith.constant 0.000000e+00 : f32
      %broadcast_in_dim3A_576 = vector.broadcast %reduce_sum3A_574 : f32 to vector<16xf32>
      %broadcast_in_dim3A_577 = vector.broadcast %jit3A_575 : f32 to vector<16xf32>
      %select_n3A_578 = arith.select %eq3A_570, %broadcast_in_dim3A_576, %broadcast_in_dim3A_577 : vector<16xi1>, vector<16xf32>
      %add3A_579 = arith.addf %add3A_550, %select_n3A_578 : vector<16xf32>
      %add3A_580 = arith.constant 9 : i32
      %add3A_581 = arith.addi %mul3A_319, %add3A_580 : i32
      %get3A_582 = arith.index_cast %add3A_581 : i32 to index
      %get3A_583 = arith.constant 0 : index
      %get3A_584 = tpu.vector_load %arg11[%get3A_582, %get3A_583] {strides = array<i32>} : memref<512x32xf32, #tpu.memory_space<vmem>>, vector<16xf32>,
      %get3A_585 = arith.index_cast %add3A_581 : i32 to index
      %get3A_586 = arith.constant 16 : index
      %get3A_587 = tpu.vector_load %arg11[%get3A_585, %get3A_586] {strides = array<i32>} : memref<512x32xf32, #tpu.memory_space<vmem>>, vector<16xf32>,
      %get3A_588 = arith.index_cast %add3A_581 : i32 to index
      %get3A_589 = arith.constant 0 : index
      %get3A_590 = tpu.vector_load %arg12[%get3A_588, %get3A_589] {strides = array<i32>} : memref<512x32xf32, #tpu.memory_space<vmem>>, vector<16xf32>,
      %get3A_591 = arith.index_cast %add3A_581 : i32 to index
      %get3A_592 = arith.constant 16 : index
      %get3A_593 = tpu.vector_load %arg12[%get3A_591, %get3A_592] {strides = array<i32>} : memref<512x32xf32, #tpu.memory_space<vmem>>, vector<16xf32>,
      %mul3A_594 = arith.mulf %get3A_584, %get3A_590 : vector<16xf32>
      %mul3A_595 = arith.mulf %get3A_587, %get3A_593 : vector<16xf32>
      %add3A_596 = arith.addf %mul3A_594, %mul3A_595 : vector<16xf32>
      %eq3A_597 = arith.constant 9 : i32
      %eq3A_598 = vector.broadcast %eq3A_597 : i32 to vector<16xi32>
      %eq3A_599 = arith.cmpi eq, %iota3A, %eq3A_598 : vector<16xi32>
      %reduce_sum3A_600 = arith.constant true
      %reduce_sum3A_601 = vector.broadcast %reduce_sum3A_600 : i1 to vector<16xi1>
      %reduce_sum3A_602 = tpu.scan <sum>, %add3A_596 masked %reduce_sum3A_601 : vector<16xf32>, vector<16xi1> -> vector<16xf32>
      %reduce_sum3A_603 = vector.extract %reduce_sum3A_602[15] : f32 from vector<16xf32>
      %jit3A_604 = arith.constant 0.000000e+00 : f32
      %broadcast_in_dim3A_605 = vector.broadcast %reduce_sum3A_603 : f32 to vector<16xf32>
      %broadcast_in_dim3A_606 = vector.broadcast %jit3A_604 : f32 to vector<16xf32>
      %select_n3A_607 = arith.select %eq3A_599, %broadcast_in_dim3A_605, %broadcast_in_dim3A_606 : vector<16xi1>, vector<16xf32>
      %add3A_608 = arith.addf %add3A_579, %select_n3A_607 : vector<16xf32>
      %add3A_609 = arith.constant 10 : i32
      %add3A_610 = arith.addi %mul3A_319, %add3A_609 : i32
      %get3A_611 = arith.index_cast %add3A_610 : i32 to index
      %get3A_612 = arith.constant 0 : index
      %get3A_613 = tpu.vector_load %arg11[%get3A_611, %get3A_612] {strides = array<i32>} : memref<512x32xf32, #tpu.memory_space<vmem>>, vector<16xf32>,
      %get3A_614 = arith.index_cast %add3A_610 : i32 to index
      %get3A_615 = arith.constant 16 : index
      %get3A_616 = tpu.vector_load %arg11[%get3A_614, %get3A_615] {strides = array<i32>} : memref<512x32xf32, #tpu.memory_space<vmem>>, vector<16xf32>,
      %get3A_617 = arith.index_cast %add3A_610 : i32 to index
      %get3A_618 = arith.constant 0 : index
      %get3A_619 = tpu.vector_load %arg12[%get3A_617, %get3A_618] {strides = array<i32>} : memref<512x32xf32, #tpu.memory_space<vmem>>, vector<16xf32>,
      %get3A_620 = arith.index_cast %add3A_610 : i32 to index
      %get3A_621 = arith.constant 16 : index
      %get3A_622 = tpu.vector_load %arg12[%get3A_620, %get3A_621] {strides = array<i32>} : memref<512x32xf32, #tpu.memory_space<vmem>>, vector<16xf32>,
      %mul3A_623 = arith.mulf %get3A_613, %get3A_619 : vector<16xf32>
      %mul3A_624 = arith.mulf %get3A_616, %get3A_622 : vector<16xf32>
      %add3A_625 = arith.addf %mul3A_623, %mul3A_624 : vector<16xf32>
      %eq3A_626 = arith.constant 10 : i32
      %eq3A_627 = vector.broadcast %eq3A_626 : i32 to vector<16xi32>
      %eq3A_628 = arith.cmpi eq, %iota3A, %eq3A_627 : vector<16xi32>
      %reduce_sum3A_629 = arith.constant true
      %reduce_sum3A_630 = vector.broadcast %reduce_sum3A_629 : i1 to vector<16xi1>
      %reduce_sum3A_631 = tpu.scan <sum>, %add3A_625 masked %reduce_sum3A_630 : vector<16xf32>, vector<16xi1> -> vector<16xf32>
      %reduce_sum3A_632 = vector.extract %reduce_sum3A_631[15] : f32 from vector<16xf32>
      %jit3A_633 = arith.constant 0.000000e+00 : f32
      %broadcast_in_dim3A_634 = vector.broadcast %reduce_sum3A_632 : f32 to vector<16xf32>
      %broadcast_in_dim3A_635 = vector.broadcast %jit3A_633 : f32 to vector<16xf32>
      %select_n3A_636 = arith.select %eq3A_628, %broadcast_in_dim3A_634, %broadcast_in_dim3A_635 : vector<16xi1>, vector<16xf32>
      %add3A_637 = arith.addf %add3A_608, %select_n3A_636 : vector<16xf32>
      %add3A_638 = arith.constant 11 : i32
      %add3A_639 = arith.addi %mul3A_319, %add3A_638 : i32
      %get3A_640 = arith.index_cast %add3A_639 : i32 to index
      %get3A_641 = arith.constant 0 : index
      %get3A_642 = tpu.vector_load %arg11[%get3A_640, %get3A_641] {strides = array<i32>} : memref<512x32xf32, #tpu.memory_space<vmem>>, vector<16xf32>,
      %get3A_643 = arith.index_cast %add3A_639 : i32 to index
      %get3A_644 = arith.constant 16 : index
      %get3A_645 = tpu.vector_load %arg11[%get3A_643, %get3A_644] {strides = array<i32>} : memref<512x32xf32, #tpu.memory_space<vmem>>, vector<16xf32>,
      %get3A_646 = arith.index_cast %add3A_639 : i32 to index
      %get3A_647 = arith.constant 0 : index
      %get3A_648 = tpu.vector_load %arg12[%get3A_646, %get3A_647] {strides = array<i32>} : memref<512x32xf32, #tpu.memory_space<vmem>>, vector<16xf32>,
      %get3A_649 = arith.index_cast %add3A_639 : i32 to index
      %get3A_650 = arith.constant 16 : index
      %get3A_651 = tpu.vector_load %arg12[%get3A_649, %get3A_650] {strides = array<i32>} : memref<512x32xf32, #tpu.memory_space<vmem>>, vector<16xf32>,
      %mul3A_652 = arith.mulf %get3A_642, %get3A_648 : vector<16xf32>
      %mul3A_653 = arith.mulf %get3A_645, %get3A_651 : vector<16xf32>
      %add3A_654 = arith.addf %mul3A_652, %mul3A_653 : vector<16xf32>
      %eq3A_655 = arith.constant 11 : i32
      %eq3A_656 = vector.broadcast %eq3A_655 : i32 to vector<16xi32>
      %eq3A_657 = arith.cmpi eq, %iota3A, %eq3A_656 : vector<16xi32>
      %reduce_sum3A_658 = arith.constant true
      %reduce_sum3A_659 = vector.broadcast %reduce_sum3A_658 : i1 to vector<16xi1>
      %reduce_sum3A_660 = tpu.scan <sum>, %add3A_654 masked %reduce_sum3A_659 : vector<16xf32>, vector<16xi1> -> vector<16xf32>
      %reduce_sum3A_661 = vector.extract %reduce_sum3A_660[15] : f32 from vector<16xf32>
      %jit3A_662 = arith.constant 0.000000e+00 : f32
      %broadcast_in_dim3A_663 = vector.broadcast %reduce_sum3A_661 : f32 to vector<16xf32>
      %broadcast_in_dim3A_664 = vector.broadcast %jit3A_662 : f32 to vector<16xf32>
      %select_n3A_665 = arith.select %eq3A_657, %broadcast_in_dim3A_663, %broadcast_in_dim3A_664 : vector<16xi1>, vector<16xf32>
      %add3A_666 = arith.addf %add3A_637, %select_n3A_665 : vector<16xf32>
      %add3A_667 = arith.constant 12 : i32
      %add3A_668 = arith.addi %mul3A_319, %add3A_667 : i32
      %get3A_669 = arith.index_cast %add3A_668 : i32 to index
      %get3A_670 = arith.constant 0 : index
      %get3A_671 = tpu.vector_load %arg11[%get3A_669, %get3A_670] {strides = array<i32>} : memref<512x32xf32, #tpu.memory_space<vmem>>, vector<16xf32>,
      %get3A_672 = arith.index_cast %add3A_668 : i32 to index
      %get3A_673 = arith.constant 16 : index
      %get3A_674 = tpu.vector_load %arg11[%get3A_672, %get3A_673] {strides = array<i32>} : memref<512x32xf32, #tpu.memory_space<vmem>>, vector<16xf32>,
      %get3A_675 = arith.index_cast %add3A_668 : i32 to index
      %get3A_676 = arith.constant 0 : index
      %get3A_677 = tpu.vector_load %arg12[%get3A_675, %get3A_676] {strides = array<i32>} : memref<512x32xf32, #tpu.memory_space<vmem>>, vector<16xf32>,
      %get3A_678 = arith.index_cast %add3A_668 : i32 to index
      %get3A_679 = arith.constant 16 : index
      %get3A_680 = tpu.vector_load %arg12[%get3A_678, %get3A_679] {strides = array<i32>} : memref<512x32xf32, #tpu.memory_space<vmem>>, vector<16xf32>,
      %mul3A_681 = arith.mulf %get3A_671, %get3A_677 : vector<16xf32>
      %mul3A_682 = arith.mulf %get3A_674, %get3A_680 : vector<16xf32>
      %add3A_683 = arith.addf %mul3A_681, %mul3A_682 : vector<16xf32>
      %eq3A_684 = arith.constant 12 : i32
      %eq3A_685 = vector.broadcast %eq3A_684 : i32 to vector<16xi32>
      %eq3A_686 = arith.cmpi eq, %iota3A, %eq3A_685 : vector<16xi32>
      %reduce_sum3A_687 = arith.constant true
      %reduce_sum3A_688 = vector.broadcast %reduce_sum3A_687 : i1 to vector<16xi1>
      %reduce_sum3A_689 = tpu.scan <sum>, %add3A_683 masked %reduce_sum3A_688 : vector<16xf32>, vector<16xi1> -> vector<16xf32>
      %reduce_sum3A_690 = vector.extract %reduce_sum3A_689[15] : f32 from vector<16xf32>
      %jit3A_691 = arith.constant 0.000000e+00 : f32
      %broadcast_in_dim3A_692 = vector.broadcast %reduce_sum3A_690 : f32 to vector<16xf32>
      %broadcast_in_dim3A_693 = vector.broadcast %jit3A_691 : f32 to vector<16xf32>
      %select_n3A_694 = arith.select %eq3A_686, %broadcast_in_dim3A_692, %broadcast_in_dim3A_693 : vector<16xi1>, vector<16xf32>
      %add3A_695 = arith.addf %add3A_666, %select_n3A_694 : vector<16xf32>
      %add3A_696 = arith.constant 13 : i32
      %add3A_697 = arith.addi %mul3A_319, %add3A_696 : i32
      %get3A_698 = arith.index_cast %add3A_697 : i32 to index
      %get3A_699 = arith.constant 0 : index
      %get3A_700 = tpu.vector_load %arg11[%get3A_698, %get3A_699] {strides = array<i32>} : memref<512x32xf32, #tpu.memory_space<vmem>>, vector<16xf32>,
      %get3A_701 = arith.index_cast %add3A_697 : i32 to index
      %get3A_702 = arith.constant 16 : index
      %get3A_703 = tpu.vector_load %arg11[%get3A_701, %get3A_702] {strides = array<i32>} : memref<512x32xf32, #tpu.memory_space<vmem>>, vector<16xf32>,
      %get3A_704 = arith.index_cast %add3A_697 : i32 to index
      %get3A_705 = arith.constant 0 : index
      %get3A_706 = tpu.vector_load %arg12[%get3A_704, %get3A_705] {strides = array<i32>} : memref<512x32xf32, #tpu.memory_space<vmem>>, vector<16xf32>,
      %get3A_707 = arith.index_cast %add3A_697 : i32 to index
      %get3A_708 = arith.constant 16 : index
      %get3A_709 = tpu.vector_load %arg12[%get3A_707, %get3A_708] {strides = array<i32>} : memref<512x32xf32, #tpu.memory_space<vmem>>, vector<16xf32>,
      %mul3A_710 = arith.mulf %get3A_700, %get3A_706 : vector<16xf32>
      %mul3A_711 = arith.mulf %get3A_703, %get3A_709 : vector<16xf32>
      %add3A_712 = arith.addf %mul3A_710, %mul3A_711 : vector<16xf32>
      %eq3A_713 = arith.constant 13 : i32
      %eq3A_714 = vector.broadcast %eq3A_713 : i32 to vector<16xi32>
      %eq3A_715 = arith.cmpi eq, %iota3A, %eq3A_714 : vector<16xi32>
      %reduce_sum3A_716 = arith.constant true
      %reduce_sum3A_717 = vector.broadcast %reduce_sum3A_716 : i1 to vector<16xi1>
      %reduce_sum3A_718 = tpu.scan <sum>, %add3A_712 masked %reduce_sum3A_717 : vector<16xf32>, vector<16xi1> -> vector<16xf32>
      %reduce_sum3A_719 = vector.extract %reduce_sum3A_718[15] : f32 from vector<16xf32>
      %jit3A_720 = arith.constant 0.000000e+00 : f32
      %broadcast_in_dim3A_721 = vector.broadcast %reduce_sum3A_719 : f32 to vector<16xf32>
      %broadcast_in_dim3A_722 = vector.broadcast %jit3A_720 : f32 to vector<16xf32>
      %select_n3A_723 = arith.select %eq3A_715, %broadcast_in_dim3A_721, %broadcast_in_dim3A_722 : vector<16xi1>, vector<16xf32>
      %add3A_724 = arith.addf %add3A_695, %select_n3A_723 : vector<16xf32>
      %add3A_725 = arith.constant 14 : i32
      %add3A_726 = arith.addi %mul3A_319, %add3A_725 : i32
      %get3A_727 = arith.index_cast %add3A_726 : i32 to index
      %get3A_728 = arith.constant 0 : index
      %get3A_729 = tpu.vector_load %arg11[%get3A_727, %get3A_728] {strides = array<i32>} : memref<512x32xf32, #tpu.memory_space<vmem>>, vector<16xf32>,
      %get3A_730 = arith.index_cast %add3A_726 : i32 to index
      %get3A_731 = arith.constant 16 : index
      %get3A_732 = tpu.vector_load %arg11[%get3A_730, %get3A_731] {strides = array<i32>} : memref<512x32xf32, #tpu.memory_space<vmem>>, vector<16xf32>,
      %get3A_733 = arith.index_cast %add3A_726 : i32 to index
      %get3A_734 = arith.constant 0 : index
      %get3A_735 = tpu.vector_load %arg12[%get3A_733, %get3A_734] {strides = array<i32>} : memref<512x32xf32, #tpu.memory_space<vmem>>, vector<16xf32>,
      %get3A_736 = arith.index_cast %add3A_726 : i32 to index
      %get3A_737 = arith.constant 16 : index
      %get3A_738 = tpu.vector_load %arg12[%get3A_736, %get3A_737] {strides = array<i32>} : memref<512x32xf32, #tpu.memory_space<vmem>>, vector<16xf32>,
      %mul3A_739 = arith.mulf %get3A_729, %get3A_735 : vector<16xf32>
      %mul3A_740 = arith.mulf %get3A_732, %get3A_738 : vector<16xf32>
      %add3A_741 = arith.addf %mul3A_739, %mul3A_740 : vector<16xf32>
      %eq3A_742 = arith.constant 14 : i32
      %eq3A_743 = vector.broadcast %eq3A_742 : i32 to vector<16xi32>
      %eq3A_744 = arith.cmpi eq, %iota3A, %eq3A_743 : vector<16xi32>
      %reduce_sum3A_745 = arith.constant true
      %reduce_sum3A_746 = vector.broadcast %reduce_sum3A_745 : i1 to vector<16xi1>
      %reduce_sum3A_747 = tpu.scan <sum>, %add3A_741 masked %reduce_sum3A_746 : vector<16xf32>, vector<16xi1> -> vector<16xf32>
      %reduce_sum3A_748 = vector.extract %reduce_sum3A_747[15] : f32 from vector<16xf32>
      %jit3A_749 = arith.constant 0.000000e+00 : f32
      %broadcast_in_dim3A_750 = vector.broadcast %reduce_sum3A_748 : f32 to vector<16xf32>
      %broadcast_in_dim3A_751 = vector.broadcast %jit3A_749 : f32 to vector<16xf32>
      %select_n3A_752 = arith.select %eq3A_744, %broadcast_in_dim3A_750, %broadcast_in_dim3A_751 : vector<16xi1>, vector<16xf32>
      %add3A_753 = arith.addf %add3A_724, %select_n3A_752 : vector<16xf32>
      %add3A_754 = arith.constant 15 : i32
      %add3A_755 = arith.addi %mul3A_319, %add3A_754 : i32
      %get3A_756 = arith.index_cast %add3A_755 : i32 to index
      %get3A_757 = arith.constant 0 : index
      %get3A_758 = tpu.vector_load %arg11[%get3A_756, %get3A_757] {strides = array<i32>} : memref<512x32xf32, #tpu.memory_space<vmem>>, vector<16xf32>,
      %get3A_759 = arith.index_cast %add3A_755 : i32 to index
      %get3A_760 = arith.constant 16 : index
      %get3A_761 = tpu.vector_load %arg11[%get3A_759, %get3A_760] {strides = array<i32>} : memref<512x32xf32, #tpu.memory_space<vmem>>, vector<16xf32>,
      %get3A_762 = arith.index_cast %add3A_755 : i32 to index
      %get3A_763 = arith.constant 0 : index
      %get3A_764 = tpu.vector_load %arg12[%get3A_762, %get3A_763] {strides = array<i32>} : memref<512x32xf32, #tpu.memory_space<vmem>>, vector<16xf32>,
      %get3A_765 = arith.index_cast %add3A_755 : i32 to index
      %get3A_766 = arith.constant 16 : index
      %get3A_767 = tpu.vector_load %arg12[%get3A_765, %get3A_766] {strides = array<i32>} : memref<512x32xf32, #tpu.memory_space<vmem>>, vector<16xf32>,
      %mul3A_768 = arith.mulf %get3A_758, %get3A_764 : vector<16xf32>
      %mul3A_769 = arith.mulf %get3A_761, %get3A_767 : vector<16xf32>
      %add3A_770 = arith.addf %mul3A_768, %mul3A_769 : vector<16xf32>
      %eq3A_771 = arith.constant 15 : i32
      %eq3A_772 = vector.broadcast %eq3A_771 : i32 to vector<16xi32>
      %eq3A_773 = arith.cmpi eq, %iota3A, %eq3A_772 : vector<16xi32>
      %reduce_sum3A_774 = arith.constant true
      %reduce_sum3A_775 = vector.broadcast %reduce_sum3A_774 : i1 to vector<16xi1>
      %reduce_sum3A_776 = tpu.scan <sum>, %add3A_770 masked %reduce_sum3A_775 : vector<16xf32>, vector<16xi1> -> vector<16xf32>
      %reduce_sum3A_777 = vector.extract %reduce_sum3A_776[15] : f32 from vector<16xf32>
      %jit3A_778 = arith.constant 0.000000e+00 : f32
      %broadcast_in_dim3A_779 = vector.broadcast %reduce_sum3A_777 : f32 to vector<16xf32>
      %broadcast_in_dim3A_780 = vector.broadcast %jit3A_778 : f32 to vector<16xf32>
      %select_n3A_781 = arith.select %eq3A_773, %broadcast_in_dim3A_779, %broadcast_in_dim3A_780 : vector<16xi1>, vector<16xf32>
      %add3A_782 = arith.addf %add3A_753, %select_n3A_781 : vector<16xf32>
      %swap3A = arith.index_cast %mul3A_319 : i32 to index
      %swap3A_783 = tpu.vector_load %arg15[%swap3A] {strides = array<i32>} : memref<512xf32, #tpu.memory_space<vmem>>, vector<16xf32>,
      tpu.vector_store %arg15[%swap3A], %add3A_782 {strides = array<i32>} : memref<512xf32, #tpu.memory_space<vmem>>, vector<16xf32>,
    }
    %scan3A_316 = arith.constant 32 : i32
    "tpu.region"() ({
      %run_scoped3A_317 = tpu.sem_alloc : memref<!tpu.dma_semaphore, #tpu.memory_space<semaphore_mem>>
      %dma_start3A_318 = tpu.memref_slice %arg8[%mul3A_2] : memref<16384xf32, #tpu.memory_space<hbm>> -> memref<512xf32, #tpu.memory_space<hbm>>
      %dma_start3A_319 = tpu.memref_slice %arg8[%mul3A_2] : memref<16384xf32, #tpu.memory_space<hbm>> -> memref<512xf32, #tpu.memory_space<hbm>>
      tpu.enqueue_dma source(%arg15 : memref<512xf32, #tpu.memory_space<vmem>>) target(%dma_start3A_319 : memref<512xf32, #tpu.memory_space<hbm>>) target_semaphore(%run_scoped3A_317 : memref<!tpu.dma_semaphore, #tpu.memory_space<semaphore_mem>>)
      %dma_wait3A_320 = tpu.memref_slice %arg8[%mul3A_2] : memref<16384xf32, #tpu.memory_space<hbm>> -> memref<512xf32, #tpu.memory_space<hbm>>
      %dma_wait3A_321 = tpu.memref_slice %arg8[%mul3A_2] : memref<16384xf32, #tpu.memory_space<hbm>> -> memref<512xf32, #tpu.memory_space<hbm>>
      tpu.wait_dma2 semaphore(%run_scoped3A_317 : memref<!tpu.dma_semaphore, #tpu.memory_space<semaphore_mem>>) src(%arg15 : memref<512xf32, #tpu.memory_space<vmem>>) dst(%dma_wait3A_321 : memref<512xf32, #tpu.memory_space<hbm>>)
      tpu.yield
    }) : () -> ()
    return
  }
}

</mosaic_0001>

<sc_bundles>
// kernel: _run.3.cloned.1.call-start
scs
__scs_entry_jumppad:
0x0: {  	(pc) =	sbr.rel $0x88, $3  }
0x1: {  	(tag) =	ssettag $0x0;
	lr =	simm.s32 $0x1  }
0x2: {  	[smem:$0x3F9B] =	sst lr;
	_ =	strace $0xD0000000  }
0x3: {  	_ = 	snop  }
0x4: {  	_ = 	snop  }
0x5: {  	_ = 	snop  }
0x6: {  	_ = 	snop  }
0x7: {  	_ = 	snop  }
__scs_overlays_trampoline_lowered:
0x8: {  	[smem:$0x3FAA] =	sst s0  }
0x9: {  	[smem:$0x3FAB] =	sst s1  }
0xa: {  	[smem:$0x3FAC] =	sst s2  }
0xb: {  	[smem:$0x3FAD] =	sst s3  }
0xc: {  	[smem:$0x3FAE] =	sst s4  }
0xd: {  	[smem:$0x3FAF] =	sst s5  }
0xe: {  	[smem:$0x3FB0] =	sst s6  }
0xf: {  	[smem:$0x3FB1] =	sst s7  }
0x10: {  	[smem:$0x3FB2] =	sst s8  }
0x11: {  	[smem:$0x3FB3] =	sst s9;
	s0 =	simm.s32 @!p0 $0x0  }
0x12: {  	s1 =	sld [smem:$0x3F99];
	s0 =	simm.s32 @p0 $0x1  }
0x13: {  	[smem:$0x3FB4] =	sst s0;
	s0 =	simm.s32 @!p1 $0x0  }
0x14: {  	s2 =	sld [smem:$0x3F98];
	s0 =	simm.s32 @p1 $0x1  }
0x15: {  	[smem:$0x3FB5] =	sst s0;
	s0 =	simm.s32 @!p2 $0x0  }
0x16: {  	s3 =	sld [smem:$0x3FDB];
	s0 =	simm.s32 @p2 $0x1  }
0x17: {  	s4 =	simm.s32 $0x1BF5;
	[smem:$0x3FB7] =	sst s0  }
0x18: {  	s0 =	sld [smem:$0x3F9A];
	_ =	swait.ge [sflag:s4], $0x0  }
0x19: {  	s7 =	sld [smem:$0x3F9B]  }
0x1a: {  	s8 =	sadd.s32 $0xFFFFE003, lr  }
0x1b: {  	s9 =	sadd.s32 $0xFFFFFEF7, lr;
	s5 =	simm.s32 $0xFFFFFFFF;
	p2 =	slt.u32 s8, $0xFFFFF086  }
0x1c: {  	p1 =	slt.u32 s9, $0xF7A;
	s5 =	simm.s32 @!p2 $0x0  }
0x1d: {  	s5 =	simm.s32 @p1 $0x1;
	p0 =	seq.s32 s7, s2  }
0x1e: {  	s7 =	smul.u32 @!p0 $0xF7A, s2;
	p2 =	seq.s32 @!p0 s5, $0x0  }
0x1f: {  	s9 =	smul.u32 $0xF7A, s1;
	s8 =	simm.s32 @!p0 $0x1BF5;
	p2 =	por !p2, p0  }
0x20: {  	[sflag:s8] =	ssyncset.s32 @!p0 $0xFFFFF086;
	s6 =	sadd.s32 @!p0 s3, s7;
	s7 =	simm.s32 @!p0 $0x108  }
0x21: {  	s3 =	sadd.s32 s3, s9;
	s6 =	sadd.s32 @!p0 $0x88, s6;
	s7 =	simm.s32 @p2 $0x1082  }
0x22: {  	[simem:s7], [sflag:s8] =	dma.local @!p0 [hbm:s6], $0xF7A  }
0x23: {  	s9 =	sor.u32 $0xD0000000, s2;
	s6 =	simm.s32 $0x108;
	_ =	swait.ge @!p0 [sflag:s8], $0x0  }
0x24: {  	s3 =	sadd.s32 $0x88, s3;
	s6 =	simm.s32 @!p1 $0x1082;
	[sflag:s4] =	ssyncset.s32 $0xFFFFF086  }
0x25: {  	[simem:s6], [sflag:s4] =	dma.local [hbm:s3], $0xF7A  }
0x26: {  	[smem:$0x3F9B] =	sst s1;
	(tag) =	ssettag s2;
	_ =	strace s9  }
0x27: {  	s1 =	sld [smem:$0x3FAB]  }
0x28: {  	s2 =	sld [smem:$0x3FAC]  }
0x29: {  	s4 =	sld [smem:$0x3FAE]  }
0x2a: {  	p0 =	seq.s32 s5, $0x0;
	s5 =	sld [smem:$0x3FAF]  }
0x2b: {  	s6 =	sld [smem:$0x3FB0]  }
0x2c: {  	s7 =	sld [smem:$0x3FB1]  }
0x2d: {  	s3 =	simm.s32 $0x108;
	s8 =	sld [smem:$0x3FB2]  }
0x2e: {  	s3 =	simm.s32 @!p0 $0x1082;
	s9 =	sld [smem:$0x3FB3]  }
0x2f: {  	lr =	sadd.s32 s0, s3;
	s0 =	sld [smem:$0x3FAA]  }
0x30: {  	s3 =	sld [smem:$0x3FAD]  }
0x31: {  	[smem:$0x3FB6] =	sst s10  }
0x32: {  	s10 =	sld [smem:$0x3FB4];
	_ =	sdelay $0x3  }
0x33: {  	p0 =	seq.s32 s10, $0x1;
	s10 =	sld [smem:$0x3FB6];
	_ =	sdelay $0x3  }
0x34: {  	[smem:$0x3FB6] =	sst s10  }
0x35: {  	s10 =	sld [smem:$0x3FB5];
	_ =	sdelay $0x3  }
0x36: {  	p1 =	seq.s32 s10, $0x1;
	s10 =	sld [smem:$0x3FB6];
	_ =	sdelay $0x3  }
0x37: {  	[smem:$0x3FB6] =	sst s10  }
0x38: {  	s10 =	sld [smem:$0x3FB7]  }
0x39: {  	_ = 	snop;
	(pc) =	sbr.ind lr, $3  }
0x3a: {  	_ = 	snop  }
0x3b: {  	_ = 	snop  }
0x3c: {  	p2 =	seq.s32 s10, $0x1;
	s10 =	sld [smem:$0x3FB6]  }
0x3d: {  	_ =	shalt  }
0x3e: {  	_ =	shalt  }
0x3f: {  	_ =	shalt  }
0x40: {  	_ =	shalt  }
0x41: {  	_ =	shalt  }
0x42: {  	_ =	shalt  }
0x43: {  	_ =	shalt  }
0x44: {  	_ =	shalt  }
0x45: {  	_ =	shalt  }
0x46: {  	_ =	shalt  }
0x47: {  	_ =	shalt  }
0x48: {  	_ =	shalt  }
0x49: {  	_ =	shalt  }
0x4a: {  	_ =	shalt  }
0x4b: {  	_ =	shalt  }
0x4c: {  	_ =	shalt  }
0x4d: {  	_ =	shalt  }
0x4e: {  	_ =	shalt  }
0x4f: {  	_ =	shalt  }
0x50: {  	_ =	shalt  }
0x51: {  	_ =	shalt  }
0x52: {  	_ =	shalt  }
0x53: {  	_ =	shalt  }
0x54: {  	_ =	shalt  }
0x55: {  	_ =	shalt  }
0x56: {  	_ =	shalt  }
0x57: {  	_ =	shalt  }
0x58: {  	_ =	shalt  }
0x59: {  	_ =	shalt  }
0x5a: {  	_ =	shalt  }
0x5b: {  	_ =	shalt  }
0x5c: {  	_ =	shalt  }
0x5d: {  	_ =	shalt  }
0x5e: {  	_ =	shalt  }
0x5f: {  	_ =	shalt  }
0x60: {  	_ =	shalt  }
0x61: {  	_ =	shalt  }
0x62: {  	_ =	shalt  }
0x63: {  	_ =	shalt  }
0x64: {  	_ =	shalt  }
0x65: {  	_ =	shalt  }
0x66: {  	_ =	shalt  }
0x67: {  	_ =	shalt  }
0x68: {  	_ =	shalt  }
0x69: {  	_ =	shalt  }
0x6a: {  	_ =	shalt  }
0x6b: {  	_ =	shalt  }
0x6c: {  	_ =	shalt  }
0x6d: {  	_ =	shalt  }
0x6e: {  	_ =	shalt  }
0x6f: {  	_ =	shalt  }
0x70: {  	_ =	shalt  }
0x71: {  	_ =	shalt  }
0x72: {  	_ =	shalt  }
0x73: {  	_ =	shalt  }
0x74: {  	_ =	shalt  }
0x75: {  	_ =	shalt  }
0x76: {  	_ =	shalt  }
0x77: {  	_ =	shalt  }
0x78: {  	_ =	shalt  }
0x79: {  	_ =	shalt  }
0x7a: {  	_ =	shalt  }
0x7b: {  	_ =	shalt  }
0x7c: {  	_ =	shalt  }
0x7d: {  	_ =	shalt  }
0x7e: {  	_ =	shalt  }
0x7f: {  	_ =	shalt  }
0x80: {  	_ =	shalt  }
0x81: {  	_ =	shalt  }
0x82: {  	_ =	shalt  }
0x83: {  	_ =	shalt  }
0x84: {  	_ =	shalt  }
0x85: {  	_ =	shalt  }
0x86: {  	_ =	shalt  }
0x87: {  	_ =	shalt  }
.Lfunc_end0:
.L_simem_size_0:
called_computation_lowered:
.L_overlay_start_0:
0x88: {  	s2 =	sld [smem:$0x3FD9]  }
0x89: {  	s3 =	sld [smem:$0x3FFE];
	_ =	sdelay $0x1  }
0x8a: {  	s1 =	srdreg.scid  }
0x8b: {  	s0 =	sand.u32 $0x1, s1  }
0x8c: {  	s17 =	sshll.u32 s0, $0xA;
	s2 =	sadd.s32 s3, s2  }
0x8d: {  	s2 =	sadd.s32 s2, s17  }
0x8e: {  	[smem:$0x3FC2] =	sst s2  }
0x8f: {  	_ = 	snop  }
0x90: {  	s2 =	sld [smem:$0x3FC9]  }
0x91: {  	s18 =	sld [smem:$0x3FC8]  }
0x92: {  	s4 =	sld [smem:$0x3FC5]  }
0x93: {  	s5 =	sld [smem:$0x3FC4]  }
0x94: {  	s6 =	sld [smem:$0x3FD0];
	(tm) =	ssettm $0x1  }
0x95: {  	s7 =	sld [smem:$0x3FFB];
	_ =	sdelay $0x3  }
0x96: {  	_ =	strace s7  }
0x97: {  	s7 =	sld [smem:$0x3FFC];
	_ =	sdelay $0x3  }
0x98: {  	_ =	strace s7  }
0x99: {  	s7 =	sld [smem:$0x3FFD];
	_ =	sdelay $0x3  }
0x9a: {  	_ =	strace s7  }
0x9b: {  	_ =	strace $0x8FFFFFFF  }
0x9c: {  	s19 =	sld [smem:$0x3FDB];
	_ =	sdelay $0x1  }
0x9d: {  	s8 =	simm.s32 $_scs_section_size  }
0x9e: {  	s9 =	simm.s32 $_size__tile_overlayer_lowered;
	s10 =	simm.s32 $_tile_overlayer_lowered  }
0x9f: {  	s22 =	simm.s32 $0x1BFF;
	s21 =	sshll.u32 s10, $0x1;
	s7 =	sadd.s32 s8, s19  }
0xa0: {  	s11 =	simm.s32 $0x0;
	s20 =	sshll.u32 s9, $0x1;
	s9 =	sadd.s32 s21, s7  }
0xa1: {  	[timem:s11], [sflag:s22] =	dma.local [hbm:s9], s20  }
0xa2: {  	_ =	swait.ge [sflag:s22], s20  }
0xa3: {  	s8 =	ssub.s32 $0x0, s20;
	[sflag:s22] =	ssyncset.done $0x0  }
0xa4: {  	[sflag:s22] =	ssyncadd.s32 s8;
	_ =	sdelay $0x1  }
0xa5: {  	s23 =	simm.s32 $0x1B8B  }
0xa6: {  	_ =	swait.ge [sflag:s23], $0x1  }
0xa7: {  	[sflag:s23] =	ssyncset.done $0x0  }
0xa8: {  	s25 =	simm.s32 $0x1B8E;
	s24 =	sld [smem:$0x3FFE];
	[sflag:s23] =	ssyncadd.s32 $0xFFFFFFFF  }
0xa9: {  	s26 =	simm.s32 $execute0_lowered;
	[smem:$0x3FD2] =	sst s25  }
0xaa: {  	s9 =	sshll.u32 s26, $0x1;
	_ =	strace $0x80000046;
	[dreg:$0x1] =	wrdreg $0xFFFFFFFF  }
0xab: {  	s28 =	simm.s32 $_size_execute0_lowered;
	s7 =	sadd.s32 s7, s9;
	[dreg:$0x0] =	wrdreg $0x0  }
0xac: {  	s9 =	sshll.u32 s28, $0x1;
	[dreg:$0x2] =	wrdreg s7  }
0xad: {  	[dreg:$0x3] =	wrdreg s9  }
0xae: {  	[dreg:$0x4] =	wrdreg $0xC0  }
0xaf: {  	_ =	task [dreg:s11], $0x5FFFF  }
0xb0: {  	[dreg:$0x1] =	wrdreg $0xFFFFFFFF  }
0xb1: {  	[dreg:$0x0] =	wrdreg $0x60  }
0xb2: {  	[dreg:$0x2] =	wrdreg s2  }
0xb3: {  	[dreg:$0x3] =	wrdreg s18  }
0xb4: {  	[dreg:$0x4] =	wrdreg s24  }
0xb5: {  	[dreg:$0x5] =	wrdreg s4  }
0xb6: {  	[dreg:$0x6] =	wrdreg s5  }
0xb7: {  	[dreg:$0x7] =	wrdreg s6  }
0xb8: {  	[dreg:$0x8] =	wrdreg $0x9  }
0xb9: {  	_ =	task.clear_ibuf [dreg:s11], $0x9FFFF;
	_ =	strace $0x90000046  }
0xba: {  	s29 =	simm.s32 $0x9;
	_ =	strace $0x80000048  }
0xbb: {  	_ =	swait.ge [sflag:s29], $0x1  }
0xbc: {  	[sflag:s29] =	ssyncadd.s32 $0xFFFFFFFF  }
0xbd: {  	_ =	strace $0x90000048  }
0xbe: {  	_ =	sfence  }
0xbf: {  	s30 =	sld [smem:$0x0];
	_ =	sdelay $0x2  }
0xc0: {  	s31 =	sshll.u32 s1, $0xD;
	s1 =	sshrl.u32 s1, $0x2  }
0xc1: {  	s3 =	sand.u32 $0x4000, s31;
	s1 =	sadd.s32 s1, s30  }
0xc2: {  	s0 =	sor.u32 s3, s0;
	s1 =	sshll.u32 s1, $0x11  }
0xc3: {  	s0 =	sor.u32 s1, s0  }
0xc4: {  	s0 =	sadd.s32 $0x8F2B, s0  }
0xc5: {  	[sflag:s0] =	ssyncadd.remote.s32 $0x1  }
0xc6: {  	_ =	sfence.sel $0xFFFF  }
0xc7: {  	[dreg:$0x0] =	wrdreg $0xFFFFFFFF;
	(pc) =	sbr.abs _section_cstart, $3  }
0xc8: {  	[dreg:$0x1] =	wrdreg $0xFFFFFFFF  }
0xc9: {  	_ =	task.clear_ibuf [dreg:s11], $0x2FFFF;
	_ =	strace $0x9FFFFFFF  }
0xca: {  	(tm) =	ssettm $0x7FFFFFFF  }
0xcb: {  	_ =	shalt  }
tec
execute0_lowered:
.L_overlay_start_1:
0x0: {  	(tag) =	ssettag $0x1  }
0x1: {  	s0 =	rddreg [dreg:$0x0]  }
0x2: {  	s3 =	rddreg [dreg:$0x1]  }
0x3: {  	s6 =	rddreg [dreg:$0x2]  }
0x4: {  	s1 =	rddreg [dreg:$0x3]  }
0x5: {  	s2 =	rddreg [dreg:$0x4]  }
0x6: {  	s15 =	rddreg [dreg:$0x5];
	s4 =	simm.s32 $0x0;
	s5 =	srdreg.scid  }
0x7: {  	s8 =	stileid.u32;
	s18 =	simm.s32 $0x200;
	s19 =	simm.s32 $0x80  }
0x8: {  	s20 =	simm.s32 $0x280;
	s21 =	simm.s32 $0x100;
	s22 =	simm.s32 $0x300  }
0x9: {  	s23 =	simm.s32 $0x180;
	s24 =	simm.s32 $0x380;
	s25 =	simm.s32 $0x1  }
0xa: {  	s26 =	simm.s32 $0x8800;
	s28 =	simm.s32 $0x0;
	[smem:$0x7FF] =	sst s4  }
0xb: {  	s5 =	sand.u32 $0x1, s5;
	s8 =	sshll.u32 s8, $0x7;
	_ =	strace $0x80000047  }
0xc: {  	s7 =	ssub.s32 $0x2, s5;
	s9 =	sshll.u32 s5, $0x6;
	s5 =	sadd.s32 $0xF42A00, s6  }
0xd: {  	vm0 =	vmmov $0x1;
	s6 =	sadd.s32 $0x187000, s6;
	s10 =	sshrl.u32 s7, $0x1;
	s16 =	sor.u32 s9, s8  }
0xe: {  	vm1 =	vcmask $0x704;
	vm2 =	vcmask $0xB08;
	vm3 =	vcmask $0xF0C;
	s17 =	ssub.s32 s7, s10;
	s31 =	sor.u32 $0x10, s16;
	s7 =	sadd.s32 s0, s16  }
0xf: {  	vm4 =	vcmask $0x1310;
	vm5 =	vcmask $0x1714;
	vm6 =	vcmask $0x1B18;
	s8 =	sadd.s32 s3, s16;
	s12 =	sor.u32 $0x20, s16;
	s14 =	sor.u32 $0x30, s16  }
0x10: {  	vm7 =	vcmask $0x1F1C;
	vm8 =	vcmask $0x2320;
	vm9 =	vcmask $0x2724;
	s15 =	sadd.s32 s15, s16;
	s9 =	sadd.s32 s0, s31;
	s10 =	sadd.s32 s3, s31  }
0x11: {  	vm10 =	vcmask $0x2B28;
	vm11 =	vcmask $0x2F2C;
	vm12 =	vcmask $0x3330;
	s11 =	sadd.s32 s0, s12;
	s12 =	sadd.s32 s3, s12;
	s13 =	sadd.s32 s0, s14  }
0x12: {  	vm13 =	vcmask $0x3734;
	vm14 =	vcmask $0x3B38;
	vm15 =	vmmov $0x7fff;
	s14 =	sadd.s32 s3, s14;
	s16 =	smax.u32 s17, $0x1;
	s17 =	simm.s32 $0x2  }
.LBB2_1:
0x13: {  	[tilespmem:s4], [sflag:$0x2] =	stream.linear.gather [hbm4b:s7+s4], $0x80, $0x38;
	[tilespmem:$0x8A00] =	vst v63  }
0x14: {  	_ =	swait.ge [sflag:s17], $0x80  }
0x15: {  	[sflag:s17] =	ssyncset.done $0x0  }
0x16: {  	[sflag:s17] =	ssyncadd.s32 $0xFFFFFF80  }
0x17: {  	[tilespmem:s18], [sflag:$0x2] =	stream.linear.gather [hbm4b:s8+s4], $0x80, $0x38;
	[tilespmem:$0x8A00] =	vst v63  }
0x18: {  	_ =	swait.ge [sflag:s17], $0x80  }
0x19: {  	[sflag:s17] =	ssyncset.done $0x0  }
0x1a: {  	[sflag:s17] =	ssyncadd.s32 $0xFFFFFF80  }
0x1b: {  	[tilespmem:s19], [sflag:$0x2] =	stream.linear.gather [hbm4b:s9+s4], $0x80, $0x38;
	[tilespmem:$0x8A00] =	vst v63  }
0x1c: {  	_ =	swait.ge [sflag:s17], $0x80  }
0x1d: {  	[sflag:s17] =	ssyncset.done $0x0  }
0x1e: {  	[sflag:s17] =	ssyncadd.s32 $0xFFFFFF80  }
0x1f: {  	[tilespmem:s20], [sflag:$0x2] =	stream.linear.gather [hbm4b:s10+s4], $0x80, $0x38;
	[tilespmem:$0x8A00] =	vst v63  }
0x20: {  	_ =	swait.ge [sflag:s17], $0x80  }
0x21: {  	[sflag:s17] =	ssyncset.done $0x0  }
0x22: {  	[sflag:s17] =	ssyncadd.s32 $0xFFFFFF80  }
0x23: {  	[tilespmem:s21], [sflag:$0x2] =	stream.linear.gather [hbm4b:s11+s4], $0x80, $0x38;
	[tilespmem:$0x8A00] =	vst v63  }
0x24: {  	_ =	swait.ge [sflag:s17], $0x80  }
0x25: {  	[sflag:s17] =	ssyncset.done $0x0  }
0x26: {  	[sflag:s17] =	ssyncadd.s32 $0xFFFFFF80  }
0x27: {  	[tilespmem:s22], [sflag:$0x2] =	stream.linear.gather [hbm4b:s12+s4], $0x80, $0x38;
	[tilespmem:$0x8A00] =	vst v63  }
0x28: {  	_ =	swait.ge [sflag:s17], $0x80  }
0x29: {  	[sflag:s17] =	ssyncset.done $0x0  }
0x2a: {  	[sflag:s17] =	ssyncadd.s32 $0xFFFFFF80  }
0x2b: {  	[tilespmem:s23], [sflag:$0x2] =	stream.linear.gather [hbm4b:s13+s4], $0x80, $0x38;
	[tilespmem:$0x8A00] =	vst v63  }
0x2c: {  	_ =	swait.ge [sflag:s17], $0x80  }
0x2d: {  	[sflag:s17] =	ssyncset.done $0x0  }
0x2e: {  	[sflag:s17] =	ssyncadd.s32 $0xFFFFFF80  }
0x2f: {  	[tilespmem:s24], [sflag:$0x2] =	stream.linear.gather [hbm4b:s14+s4], $0x80, $0x38;
	[tilespmem:$0x8A00] =	vst v63  }
0x30: {  	_ =	swait.ge [sflag:s17], $0x80  }
0x31: {  	[sflag:s17] =	ssyncset.done $0x0  }
0x32: {  	s0 =	simm.s32 $0x400;
	[sflag:s17] =	ssyncadd.s32 $0xFFFFFF80  }
0x33: {  	[tilespmem:s0], [sflag:$0x1] =	stream.indirect.gather [hbm4b:s5+s19], $0x20, s4, s19, $0xb8;
	[tilespmem:$0x8A00] =	vst v63  }
0x34: {  	s3 =	simm.s32 $0x4400  }
0x35: {  	[tilespmem:s3], [sflag:$0x1] =	stream.indirect.gather [hbm4b:s6+s19], $0x20, s18, s19, $0xb8;
	[tilespmem:$0x8A00] =	vst v63  }
0x36: {  	s3 =	simm.s32 $0x8400  }
0x37: {  	[tilespmem:s3], [sflag:$0x1] =	stream.indirect.gather [hbm4b:s1+s19], $0x1, s4, s19, $0xb8;
	[tilespmem:$0x8A00] =	vst v63  }
0x38: {  	s3 =	simm.s32 $0x8600  }
0x39: {  	[tilespmem:s3], [sflag:$0x1] =	stream.indirect.gather [hbm4b:s2+s19], $0x1, s18, s19, $0xb8;
	[tilespmem:$0x8A00] =	vst v63  }
0x3a: {  	s3 =	simm.s32 $0x1400  }
0x3b: {  	[tilespmem:s3], [sflag:$0x1] =	stream.indirect.gather [hbm4b:s5+s19], $0x20, s19, s19, $0xb8;
	[tilespmem:$0x8A00] =	vst v63  }
0x3c: {  	s3 =	simm.s32 $0x5400  }
0x3d: {  	[tilespmem:s3], [sflag:$0x1] =	stream.indirect.gather [hbm4b:s6+s19], $0x20, s20, s19, $0xb8;
	[tilespmem:$0x8A00] =	vst v63  }
0x3e: {  	s3 =	simm.s32 $0x8480  }
0x3f: {  	[tilespmem:s3], [sflag:$0x1] =	stream.indirect.gather [hbm4b:s1+s19], $0x1, s19, s19, $0xb8;
	[tilespmem:$0x8A00] =	vst v63  }
0x40: {  	s3 =	simm.s32 $0x8680  }
0x41: {  	[tilespmem:s3], [sflag:$0x1] =	stream.indirect.gather [hbm4b:s2+s19], $0x1, s20, s19, $0xb8;
	[tilespmem:$0x8A00] =	vst v63  }
0x42: {  	s3 =	simm.s32 $0x2400  }
0x43: {  	[tilespmem:s3], [sflag:$0x1] =	stream.indirect.gather [hbm4b:s5+s19], $0x20, s21, s19, $0xb8;
	[tilespmem:$0x8A00] =	vst v63  }
0x44: {  	s3 =	simm.s32 $0x6400  }
0x45: {  	[tilespmem:s3], [sflag:$0x1] =	stream.indirect.gather [hbm4b:s6+s19], $0x20, s22, s19, $0xb8;
	[tilespmem:$0x8A00] =	vst v63  }
0x46: {  	s3 =	simm.s32 $0x8500  }
0x47: {  	[tilespmem:s3], [sflag:$0x1] =	stream.indirect.gather [hbm4b:s1+s19], $0x1, s21, s19, $0xb8;
	[tilespmem:$0x8A00] =	vst v63  }
0x48: {  	s3 =	simm.s32 $0x8700  }
0x49: {  	[tilespmem:s3], [sflag:$0x1] =	stream.indirect.gather [hbm4b:s2+s19], $0x1, s22, s19, $0xb8;
	[tilespmem:$0x8A00] =	vst v63  }
0x4a: {  	s3 =	simm.s32 $0x3400  }
0x4b: {  	[tilespmem:s3], [sflag:$0x1] =	stream.indirect.gather [hbm4b:s5+s19], $0x20, s23, s19, $0xb8;
	[tilespmem:$0x8A00] =	vst v63  }
0x4c: {  	s3 =	simm.s32 $0x7400  }
0x4d: {  	[tilespmem:s3], [sflag:$0x1] =	stream.indirect.gather [hbm4b:s6+s19], $0x20, s24, s19, $0xb8;
	[tilespmem:$0x8A00] =	vst v63  }
0x4e: {  	s3 =	simm.s32 $0x8580  }
0x4f: {  	[tilespmem:s3], [sflag:$0x1] =	stream.indirect.gather [hbm4b:s1+s19], $0x1, s23, s19, $0xb8;
	[tilespmem:$0x8A00] =	vst v63  }
0x50: {  	s3 =	simm.s32 $0x8780  }
0x51: {  	[tilespmem:s3], [sflag:$0x1] =	stream.indirect.gather [hbm4b:s2+s19], $0x1, s24, s19, $0xb8;
	[tilespmem:$0x8A00] =	vst v63  }
0x52: {  	_ =	swait.ge [sflag:s25], $0x1000  }
0x53: {  	[sflag:s25] =	ssyncset.done $0x0  }
0x54: {  	[sflag:s25] =	ssyncadd.s32 $0xFFFFF000  }
0x55: {  	_ =	swait.ge [sflag:s25], $0x1000  }
0x56: {  	[sflag:s25] =	ssyncset.done $0x0  }
0x57: {  	[sflag:s25] =	ssyncadd.s32 $0xFFFFF000  }
0x58: {  	_ =	swait.ge [sflag:s25], $0x80  }
0x59: {  	[sflag:s25] =	ssyncset.done $0x0  }
0x5a: {  	[sflag:s25] =	ssyncadd.s32 $0xFFFFFF80  }
0x5b: {  	_ =	swait.ge [sflag:s25], $0x80  }
0x5c: {  	[sflag:s25] =	ssyncset.done $0x0  }
0x5d: {  	[sflag:s25] =	ssyncadd.s32 $0xFFFFFF80  }
0x5e: {  	_ =	swait.ge [sflag:s25], $0x1000  }
0x5f: {  	[sflag:s25] =	ssyncset.done $0x0  }
0x60: {  	[sflag:s25] =	ssyncadd.s32 $0xFFFFF000  }
0x61: {  	_ =	swait.ge [sflag:s25], $0x1000  }
0x62: {  	[sflag:s25] =	ssyncset.done $0x0  }
0x63: {  	[sflag:s25] =	ssyncadd.s32 $0xFFFFF000  }
0x64: {  	_ =	swait.ge [sflag:s25], $0x80  }
0x65: {  	[sflag:s25] =	ssyncset.done $0x0  }
0x66: {  	[sflag:s25] =	ssyncadd.s32 $0xFFFFFF80  }
0x67: {  	_ =	swait.ge [sflag:s25], $0x80  }
0x68: {  	[sflag:s25] =	ssyncset.done $0x0  }
0x69: {  	[sflag:s25] =	ssyncadd.s32 $0xFFFFFF80  }
0x6a: {  	_ =	swait.ge [sflag:s25], $0x1000  }
0x6b: {  	[sflag:s25] =	ssyncset.done $0x0  }
0x6c: {  	[sflag:s25] =	ssyncadd.s32 $0xFFFFF000  }
0x6d: {  	_ =	swait.ge [sflag:s25], $0x1000  }
0x6e: {  	[sflag:s25] =	ssyncset.done $0x0  }
0x6f: {  	[sflag:s25] =	ssyncadd.s32 $0xFFFFF000  }
0x70: {  	_ =	swait.ge [sflag:s25], $0x80  }
0x71: {  	[sflag:s25] =	ssyncset.done $0x0  }
0x72: {  	[sflag:s25] =	ssyncadd.s32 $0xFFFFFF80  }
0x73: {  	_ =	swait.ge [sflag:s25], $0x80  }
0x74: {  	[sflag:s25] =	ssyncset.done $0x0  }
0x75: {  	[sflag:s25] =	ssyncadd.s32 $0xFFFFFF80  }
0x76: {  	_ =	swait.ge [sflag:s25], $0x1000  }
0x77: {  	[sflag:s25] =	ssyncset.done $0x0  }
0x78: {  	[sflag:s25] =	ssyncadd.s32 $0xFFFFF000  }
0x79: {  	_ =	swait.ge [sflag:s25], $0x1000  }
0x7a: {  	[sflag:s25] =	ssyncset.done $0x0  }
0x7b: {  	[sflag:s25] =	ssyncadd.s32 $0xFFFFF000  }
0x7c: {  	_ =	swait.ge [sflag:s25], $0x80  }
0x7d: {  	[sflag:s25] =	ssyncset.done $0x0  }
0x7e: {  	[sflag:s25] =	ssyncadd.s32 $0xFFFFFF80  }
0x7f: {  	_ =	swait.ge [sflag:s25], $0x80  }
0x80: {  	[sflag:s25] =	ssyncset.done $0x0  }
0x81: {  	s29 =	simm.s32 $0x0;
	[sflag:s25] =	ssyncadd.s32 $0xFFFFFF80  }
0x82: {  	v1 =	vld [tilespmem:s29+$0x8400]  }
0x83: {  	s31 =	simm.s32 $0x500;
	v2 =	vld [tilespmem:s29+$0x8600]  }
0x84: {  	s30 =	simm.s32 $0x4500;
	v0 =	vld [tilespmem:s31+$0xA0]  }
0x85: {  	v3 =	vld [tilespmem:s30+$0xA0]  }
0x86: {  	v4 =	vld [tilespmem:s31+$0xB0]  }
0x87: {  	v5 =	vld [tilespmem:s30+$0xB0]  }
0x88: {  	v6 =	vld [tilespmem:s31+$0x60]  }
0x89: {  	v7 =	vld [tilespmem:s30+$0x60]  }
0x8a: {  	v8 =	vld [tilespmem:s31+$0x70]  }
0x8b: {  	v9 =	vld [tilespmem:s30+$0x70]  }
0x8c: {  	v10 =	vld [tilespmem:s31+$0x20]  }
0x8d: {  	v11 =	vld [tilespmem:s30+$0x20]  }
0x8e: {  	v12 =	vld [tilespmem:s31+$0x30]  }
0x8f: {  	v13 =	vld [tilespmem:s30+$0x30]  }
0x90: {  	v14 =	vld [tilespmem:s31+$0xFFFFFFE0]  }
0x91: {  	v15 =	vld [tilespmem:s30+$0xFFFFFFE0]  }
0x92: {  	v16 =	vld [tilespmem:s31+$0xFFFFFFF0];
	v0 =	vmul.f32 v3, v0;
	v3 =	vmul.f32 v5, v4  }
0x93: {  	v17 =	vld [tilespmem:s30+$0xFFFFFFF0]  }
0x94: {  	v18 =	vld [tilespmem:s31+$0xFFFFFFA0];
	v0 =	vadd.f32 v3, v0  }
0x95: {  	v19 =	vld [tilespmem:s30+$0xFFFFFFA0]  }
0x96: {  	v20 =	vld [tilespmem:s31+$0xFFFFFFB0];
	(xrf2) =	vadd.scan.msk.f32 $0xffff, v0;
	v0 =	vmul.f32 v7, v6;
	v6 =	vmul.f32 v9, v8  }
0x97: {  	v21 =	vld [tilespmem:s31+$0xFFFFFF60]  }
0x98: {  	v22 =	vld [tilespmem:s30+$0xFFFFFF60];
	v0 =	vadd.f32 v6, v0  }
0x99: {  	v23 =	vld [tilespmem:s31+$0xFFFFFF70];
	v7 =	vmul.f32 v11, v10;
	v8 =	vmul.f32 v13, v12  }
0x9a: {  	v3 =	vld [tilespmem:s30+$0xFFFFFFB0];
	(xrf2) =	vadd.scan.msk.f32 $0xffff, v0  }
0x9b: {  	v24 =	vld [tilespmem:s30+$0xFFFFFF70];
	v11 =	vadd.f32 v8, v7  }
0x9c: {  	v4 =	vld [tilespmem:s31+$0xFFFFFF20];
	v9 =	vmul.f32 v15, v14;
	v10 =	vmul.f32 v17, v16  }
0x9d: {  	v5 =	vld [tilespmem:s30+$0xFFFFFF20];
	(xrf2) =	vadd.scan.msk.f32 $0xffff, v11  }
0x9e: {  	v6 =	vld [tilespmem:s31+$0xFFFFFF30];
	v0 =	vadd.f32 v10, v9  }
0x9f: {  	v12 =	vmul.f32 v19, v18;
	v8 =	vld [tilespmem:s30+$0xFFFFFF30];
	v3 =	vmul.f32 v3, v20  }
0xa0: {  	v7 =	vld [tilespmem:s30+$0xFFFFFF00];
	(xrf2) =	vadd.scan.msk.f32 $0xffff, v0  }
0xa1: {  	v9 =	vld [tilespmem:s31+$0xFFFFFF00];
	v13 =	vadd.f32 v3, v12  }
0xa2: {  	v10 =	vld [tilespmem:s31+$0xFFFFFF10];
	v3 =	vmul.f32 v22, v21;
	v12 =	vmul.f32 v24, v23  }
0xa3: {  	s0 =	simm.s32 $0x40;
	v11 =	vld [tilespmem:s30+$0xFFFFFF10];
	v0, _, _ =	vpop (xrf2);
	(xrf2) =	vadd.scan.msk.f32 $0xffff, v13  }
.LBB2_2:
0xa4: {  	p0 =	sne.s32 s0, $0x7C0;
	v13 =	vld [tilespmem:s31+$0xFFFFFF40];
	v12 =	vadd.f32 v12, v3;
	v3, _, _ =	vpop (xrf2)  }
0xa5: {  	v14 =	vmul.f32 v5, v4;
	v5 =	vmul.f32 v8, v6;
	v6 =	vld [tilespmem:s30+$0xFFFFFF40]  }
0xa6: {  	v8 =	vld [tilespmem:s31+$0xFFFFFF50];
	(xrf2) =	vadd.scan.msk.f32 $0xffff, v12  }
0xa7: {  	v5 =	vadd.f32 v5, v14;
	v12 =	vld [tilespmem:s30+$0xFFFFFF50];
	v4, _, _ =	vpop (xrf2)  }
0xa8: {  	v7 =	vmul.f32 v7, v9;
	v14 =	vmul.f32 v11, v10;
	v10 =	vld [tilespmem:s31+$0xFFFFFF80]  }
0xa9: {  	v11 =	vld [tilespmem:s30+$0xFFFFFF80];
	(xrf2) =	vadd.scan.msk.f32 $0xffff, v5  }
0xaa: {  	v5 =	vadd.f32 v14, v7;
	v7 =	vld [tilespmem:s31+$0xFFFFFF90];
	v9, _, _ =	vpop (xrf2)  }
0xab: {  	v14 =	vld [tilespmem:s30+$0xFFFFFF90]  }
0xac: {  	v6 =	vmul.f32 v6, v13;
	v8 =	vmul.f32 v12, v8;
	v12 =	vld [tilespmem:s31+$0xFFFFFFC0];
	(xrf2) =	vadd.scan.msk.f32 $0xffff, v5  }
0xad: {  	v5 =	vld [tilespmem:s30+$0xFFFFFFC0];
	v13, _, _ =	vpop (xrf2)  }
0xae: {  	v16 =	vadd.f32 v8, v6;
	v8 =	vld [tilespmem:s31+$0xFFFFFFD0]  }
0xaf: {  	v15 =	vld [tilespmem:s30+$0xFFFFFFD0]  }
0xb0: {  	v10 =	vmul.f32 v11, v10;
	v7 =	vmul.f32 v14, v7;
	v11 =	vld [tilespmem:s31+$0x0];
	(xrf2) =	vadd.scan.msk.f32 $0xffff, v16;
	v6, _, _ =	vpop (xrf2)  }
0xb1: {  	v14 =	vld [tilespmem:s30+$0x0]  }
0xb2: {  	v7 =	vadd.f32 v7, v10;
	v10 =	vld [tilespmem:s31+$0x10]  }
0xb3: {  	v16 =	vld [tilespmem:s30+$0x10];
	v17, _, _ =	vpop (xrf2)  }
0xb4: {  	v5 =	vmul.f32 v5, v12;
	v8 =	vmul.f32 v15, v8;
	v12 =	vld [tilespmem:s31+$0x40];
	(xrf2) =	vadd.scan.msk.f32 $0xffff, v7  }
0xb5: {  	v7 =	vld [tilespmem:s30+$0x40]  }
0xb6: {  	v5 =	vadd.f32 v8, v5;
	v8 =	vld [tilespmem:s31+$0x50];
	v15, _, _ =	vpop (xrf2)  }
0xb7: {  	v15 =	vbroadcast v15, $0xF;
	v18 =	vld [tilespmem:s30+$0x50]  }
0xb8: {  	v1 =	vadd.f32 v2, v1;
	v2 =	vmul.f32 v14, v11;
	v16 =	vmul.f32 v16, v10;
	v11 =	vld [tilespmem:s31+$0x80];
	(xrf2) =	vadd.scan.msk.f32 $0xffff, v5  }
0xb9: {  	v14 =	vbroadcast v17, $0xF;
	v5 =	vnsel vm0, $0x0, v15;
	v15 =	vld [tilespmem:s30+$0x80]  }
0xba: {  	v1 =	vadd.f32 v5, v1;
	v2 =	vadd.f32 v16, v2;
	v5 =	vld [tilespmem:s31+$0x90];
	v10, _, _ =	vpop (xrf2)  }
0xbb: {  	v14 =	vnsel vm1, $0x0, v14;
	v10 =	vbroadcast v10, $0xF;
	v16 =	vld [tilespmem:s30+$0x90]  }
0xbc: {  	v7 =	vmul.f32 v7, v12;
	v1 =	vadd.f32 v14, v1;
	v14 =	vmul.f32 v18, v8;
	v12 =	vld [tilespmem:s31+$0xC0];
	(xrf2) =	vadd.scan.msk.f32 $0xffff, v2  }
0xbd: {  	v6 =	vbroadcast v6, $0xF;
	v2 =	vnsel vm2, $0x0, v10;
	v10 =	vld [tilespmem:s30+$0xC0]  }
0xbe: {  	v1 =	vadd.f32 v2, v1;
	v2 =	vadd.f32 v14, v7;
	v7 =	vld [tilespmem:s31+$0xD0];
	v8, _, _ =	vpop (xrf2)  }
0xbf: {  	v6 =	vnsel vm3, $0x0, v6;
	v8 =	vbroadcast v8, $0xF;
	v14 =	vld [tilespmem:s30+$0xD0]  }
0xc0: {  	v15 =	vmul.f32 v15, v11;
	v1 =	vadd.f32 v6, v1;
	v5 =	vmul.f32 v16, v5;
	v11 =	vld [tilespmem:s31+$0xE0];
	(xrf2) =	vadd.scan.msk.f32 $0xffff, v2  }
0xc1: {  	v2 =	vnsel vm4, $0x0, v8;
	v8 =	vbroadcast v13, $0xF;
	v13 =	vld [tilespmem:s30+$0xE0]  }
0xc2: {  	v1 =	vadd.f32 v2, v1;
	v2 =	vadd.f32 v5, v15;
	v5 =	vld [tilespmem:s31+$0xF0];
	v6, _, _ =	vpop (xrf2)  }
0xc3: {  	v8 =	vnsel vm5, $0x0, v8;
	v6 =	vbroadcast v6, $0xF;
	v15 =	vld [tilespmem:s30+$0xF0]  }
0xc4: {  	v1 =	vadd.f32 v8, v1;
	v8 =	vmul.f32 v10, v12;
	v10 =	vmul.f32 v14, v7;
	(xrf2) =	vadd.scan.msk.f32 $0xffff, v2  }
0xc5: {  	v2 =	vnsel vm6, $0x0, v6;
	v6 =	vbroadcast v9, $0xF  }
0xc6: {  	v1 =	vadd.f32 v2, v1;
	v2 =	vadd.f32 v10, v8;
	v7, _, _ =	vpop (xrf2)  }
0xc7: {  	v6 =	vnsel vm7, $0x0, v6;
	v7 =	vbroadcast v7, $0xF  }
0xc8: {  	v1 =	vadd.f32 v6, v1;
	v6 =	vmul.f32 v13, v11;
	v8 =	vmul.f32 v15, v5;
	(xrf2) =	vadd.scan.msk.f32 $0xffff, v2  }
0xc9: {  	v4 =	vbroadcast v4, $0xF;
	v2 =	vnsel vm8, $0x0, v7  }
0xca: {  	v1 =	vadd.f32 v2, v1;
	v2 =	vadd.f32 v8, v6;
	v5, _, _ =	vpop (xrf2)  }
0xcb: {  	v4 =	vnsel vm9, $0x0, v4;
	v5 =	vbroadcast v5, $0xF  }
0xcc: {  	v1 =	vadd.f32 v4, v1;
	(xrf2) =	vadd.scan.msk.f32 $0xffff, v2  }
0xcd: {  	v3 =	vbroadcast v3, $0xF;
	v4 =	vnsel vm10, $0x0, v5  }
0xce: {  	v1 =	vadd.f32 v4, v1;
	v2, _, _ =	vpop (xrf2)  }
0xcf: {  	v3 =	vnsel vm11, $0x0, v3;
	v4 =	vbroadcast v2, $0xF  }
0xd0: {  	v1 =	vadd.f32 v3, v1  }
0xd1: {  	v0 =	vbroadcast v0, $0xF;
	v3 =	vnsel vm12, $0x0, v4  }
0xd2: {  	v1 =	vadd.f32 v3, v1;
	v2, _, _ =	vpop (xrf2)  }
0xd3: {  	v0 =	vnsel vm13, $0x0, v0;
	v2 =	vbroadcast v2, $0xF  }
0xd4: {  	v0 =	vadd.f32 v0, v1  }
0xd5: {  	v2 =	vnsel vm14, $0x0, v2  }
0xd6: {  	v0 =	vadd.f32 v2, v0;
	v1, _, _ =	vpop (xrf2)  }
0xd7: {  	v1 =	vsel vm15, $0x0, v1  }
0xd8: {  	s3 =	sshra.s32 s0, $0x2;
	v0 =	vadd.f32 v1, v0  }
0xd9: {  	v1 =	vld [tilespmem:s3+$0x8400]  }
0xda: {  	s31 =	sadd.s32 $0x200, s31;
	v2 =	vld [tilespmem:s3+$0x8600];
	[tilespmem:s29+$0x8800] =	vst v0;
	s29 =	smov.u32 s3  }
0xdb: {  	s30 =	sadd.s32 $0x200, s30;
	v0 =	vld [tilespmem:s31+$0xA0]  }
0xdc: {  	v3 =	vld [tilespmem:s30+$0xA0]  }
0xdd: {  	v4 =	vld [tilespmem:s31+$0xB0]  }
0xde: {  	v5 =	vld [tilespmem:s30+$0xB0]  }
0xdf: {  	v6 =	vld [tilespmem:s31+$0x60]  }
0xe0: {  	v7 =	vld [tilespmem:s30+$0x60]  }
0xe1: {  	v8 =	vld [tilespmem:s31+$0x70]  }
0xe2: {  	v9 =	vld [tilespmem:s30+$0x70]  }
0xe3: {  	v10 =	vld [tilespmem:s31+$0x20]  }
0xe4: {  	v11 =	vld [tilespmem:s30+$0x20]  }
0xe5: {  	v12 =	vld [tilespmem:s31+$0x30]  }
0xe6: {  	v13 =	vld [tilespmem:s30+$0x30]  }
0xe7: {  	v14 =	vld [tilespmem:s31+$0xFFFFFFE0]  }
0xe8: {  	v15 =	vld [tilespmem:s30+$0xFFFFFFE0]  }
0xe9: {  	v16 =	vld [tilespmem:s31+$0xFFFFFFF0]  }
0xea: {  	v0 =	vmul.f32 v3, v0;
	v3 =	vmul.f32 v5, v4;
	v17 =	vld [tilespmem:s30+$0xFFFFFFF0]  }
0xeb: {  	v18 =	vld [tilespmem:s31+$0xFFFFFFA0]  }
0xec: {  	v0 =	vadd.f32 v3, v0;
	v19 =	vld [tilespmem:s30+$0xFFFFFFA0]  }
0xed: {  	v4 =	vmul.f32 v7, v6;
	v5 =	vmul.f32 v9, v8;
	v3 =	vld [tilespmem:s31+$0xFFFFFFB0]  }
0xee: {  	v7 =	vld [tilespmem:s30+$0xFFFFFFB0];
	(xrf2) =	vadd.scan.msk.f32 $0xffff, v0  }
0xef: {  	v0 =	vadd.f32 v5, v4;
	v20 =	vld [tilespmem:s31+$0xFFFFFF60]  }
0xf0: {  	v4 =	vmul.f32 v11, v10;
	v5 =	vmul.f32 v13, v12;
	v21 =	vld [tilespmem:s30+$0xFFFFFF60]  }
0xf1: {  	v11 =	vld [tilespmem:s31+$0xFFFFFF70];
	(xrf2) =	vadd.scan.msk.f32 $0xffff, v0  }
0xf2: {  	v0 =	vadd.f32 v5, v4;
	v12 =	vld [tilespmem:s30+$0xFFFFFF70]  }
0xf3: {  	v8 =	vmul.f32 v15, v14;
	v9 =	vmul.f32 v17, v16;
	v4 =	vld [tilespmem:s31+$0xFFFFFF20]  }
0xf4: {  	v5 =	vld [tilespmem:s30+$0xFFFFFF20];
	(xrf2) =	vadd.scan.msk.f32 $0xffff, v0  }
0xf5: {  	v14 =	vadd.f32 v9, v8;
	v6 =	vld [tilespmem:s31+$0xFFFFFF30]  }
.Ltmp0:
0xf6: {  	v10 =	vmul.f32 v19, v18;
	v3 =	vmul.f32 v7, v3;
	v8 =	vld [tilespmem:s30+$0xFFFFFF30];
	(pc) =	sbr.rel @p0 .LBB2_2-.Ltmp0, $4  }
0xf7: {  	v7 =	vld [tilespmem:s30+$0xFFFFFF00];
	(xrf2) =	vadd.scan.msk.f32 $0xffff, v14  }
0xf8: {  	v13 =	vadd.f32 v3, v10;
	v9 =	vld [tilespmem:s31+$0xFFFFFF00];
	v0, _, _ =	vpop (xrf2)  }
0xf9: {  	v3 =	vmul.f32 v21, v20;
	v12 =	vmul.f32 v12, v11;
	v10 =	vld [tilespmem:s31+$0xFFFFFF10]  }
0xfa: {  	s0 =	sadd.s32 $0x40, s0;
	v11 =	vld [tilespmem:s30+$0xFFFFFF10];
	(xrf2) =	vadd.scan.msk.f32 $0xffff, v13  }
0xfb: {  	v13 =	vld [tilespmem:s31+$0xFFFFFF40]  }
0xfc: {  	v14 =	vld [tilespmem:s30+$0xFFFFFF40]  }
0xfd: {  	v15 =	vld [tilespmem:s31+$0xFFFFFF50]  }
0xfe: {  	v4 =	vmul.f32 v5, v4;
	v42 =	vmul.f32 v8, v6;
	v43 =	vld [tilespmem:s30+$0xFFFFFF50]  }
0xff: {  	v3 =	vadd.f32 v12, v3;
	v45 =	vld [tilespmem:s31+$0xFFFFFF80];
	v7 =	vmul.f32 v7, v9;
	v44 =	vmul.f32 v11, v10  }
0x100: {  	v46 =	vld [tilespmem:s30+$0xFFFFFF80];
	v4 =	vadd.f32 v42, v4  }
0x101: {  	v48 =	vld [tilespmem:s31+$0xFFFFFF90];
	(xrf2) =	vadd.scan.msk.f32 $0xffff, v3;
	v47 =	vadd.f32 v44, v7  }
0x102: {  	v49 =	vld [tilespmem:s30+$0xFFFFFF90];
	(xrf2) =	vadd.scan.msk.f32 $0xffff, v4  }
0x103: {  	v51 =	vld [tilespmem:s31+$0xFFFFFFC0];
	v50 =	vmul.f32 v14, v13;
	v6 =	vmul.f32 v43, v15;
	(xrf2) =	vadd.scan.msk.f32 $0xffff, v47  }
0x104: {  	v52 =	vld [tilespmem:s30+$0xFFFFFFC0]  }
0x105: {  	v53 =	vld [tilespmem:s31+$0xFFFFFFD0];
	v6 =	vadd.f32 v6, v50  }
0x106: {  	v54 =	vld [tilespmem:s30+$0xFFFFFFD0]  }
0x107: {  	v12, _, _ =	vpop (xrf2);
	v55 =	vld [tilespmem:s31+$0x0];
	v5 =	vmul.f32 v46, v45;
	v4 =	vmul.f32 v49, v48;
	(xrf2) =	vadd.scan.msk.f32 $0xffff, v6  }
0x108: {  	v57 =	vld [tilespmem:s30+$0x0];
	v56, _, _ =	vpop (xrf2)  }
0x109: {  	v59 =	vld [tilespmem:s31+$0x10];
	v58, _, _ =	vpop (xrf2);
	v4 =	vadd.f32 v4, v5  }
0x10a: {  	v61 =	vld [tilespmem:s30+$0x10];
	v60, _, _ =	vpop (xrf2)  }
0x10b: {  	v62 =	vld [tilespmem:s31+$0x40];
	v3 =	vmul.f32 v52, v51;
	v8 =	vmul.f32 v54, v53;
	(xrf2) =	vadd.scan.msk.f32 $0xffff, v4;
	v16, _, _ =	vpop (xrf2)  }
0x10c: {  	v21 =	vld [tilespmem:s30+$0x40];
	v63, _, _ =	vpop (xrf2)  }
0x10d: {  	v22 =	vld [tilespmem:s31+$0x50];
	v3 =	vadd.f32 v8, v3;
	v17, _, _ =	vpop (xrf2)  }
0x10e: {  	v18 =	vld [tilespmem:s30+$0x50];
	v17 =	vbroadcast v17, $0xF  }
0x10f: {  	v1 =	vadd.f32 v2, v1;
	v24 =	vld [tilespmem:s31+$0x80];
	v23 =	vmul.f32 v57, v55;
	v5 =	vmul.f32 v61, v59;
	(xrf2) =	vadd.scan.msk.f32 $0xffff, v3  }
0x110: {  	v26 =	vld [tilespmem:s30+$0x80];
	v4 =	vbroadcast v63, $0xF;
	v25 =	vnsel vm0, $0x0, v17  }
0x111: {  	v27 =	vld [tilespmem:s31+$0x90];
	v2 =	vadd.f32 v5, v23;
	v28, _, _ =	vpop (xrf2);
	v1 =	vadd.f32 v25, v1  }
0x112: {  	v29 =	vld [tilespmem:s30+$0x90];
	v4 =	vnsel vm1, $0x0, v4;
	v5 =	vbroadcast v28, $0xF  }
0x113: {  	v31 =	vld [tilespmem:s31+$0xC0];
	v30 =	vmul.f32 v21, v62;
	v8 =	vmul.f32 v18, v22;
	(xrf2) =	vadd.scan.msk.f32 $0xffff, v2;
	v1 =	vadd.f32 v4, v1  }
0x114: {  	v34 =	vld [tilespmem:s30+$0xC0];
	v33 =	vbroadcast v16, $0xF;
	v32 =	vnsel vm2, $0x0, v5  }
0x115: {  	v36 =	vld [tilespmem:s31+$0xD0];
	v35 =	vadd.f32 v8, v30;
	v37, _, _ =	vpop (xrf2);
	v1 =	vadd.f32 v32, v1  }
0x116: {  	v38 =	vld [tilespmem:s30+$0xD0];
	v8 =	vbroadcast v37, $0xF;
	v5 =	vnsel vm3, $0x0, v33  }
0x117: {  	v40 =	vld [tilespmem:s31+$0xE0];
	v39 =	vmul.f32 v26, v24;
	v3 =	vmul.f32 v29, v27;
	(xrf2) =	vadd.scan.msk.f32 $0xffff, v35;
	v1 =	vadd.f32 v5, v1  }
0x118: {  	v43 =	vld [tilespmem:s30+$0xE0];
	v42 =	vbroadcast v60, $0xF;
	v41 =	vnsel vm4, $0x0, v8  }
0x119: {  	v45 =	vld [tilespmem:s31+$0xF0];
	v44 =	vadd.f32 v3, v39;
	v46, _, _ =	vpop (xrf2);
	v1 =	vadd.f32 v41, v1  }
0x11a: {  	v47 =	vld [tilespmem:s30+$0xF0];
	v8 =	vnsel vm5, $0x0, v42;
	v5 =	vbroadcast v46, $0xF  }
0x11b: {  	v48 =	vmul.f32 v34, v31;
	(xrf2) =	vadd.scan.msk.f32 $0xffff, v44;
	v4 =	vmul.f32 v38, v36;
	v1 =	vadd.f32 v8, v1  }
0x11c: {  	v50 =	vbroadcast v58, $0xF;
	v49 =	vnsel vm6, $0x0, v5  }
0x11d: {  	v51 =	vadd.f32 v4, v48;
	v52, _, _ =	vpop (xrf2);
	v1 =	vadd.f32 v49, v1  }
0x11e: {  	v5 =	vnsel vm7, $0x0, v50;
	v4 =	vbroadcast v52, $0xF  }
0x11f: {  	v53 =	vmul.f32 v43, v40;
	v3 =	vmul.f32 v47, v45;
	(xrf2) =	vadd.scan.msk.f32 $0xffff, v51;
	v1 =	vadd.f32 v5, v1  }
0x120: {  	v55 =	vbroadcast v56, $0xF;
	v54 =	vnsel vm8, $0x0, v4  }
0x121: {  	v56 =	vadd.f32 v3, v53;
	v57, _, _ =	vpop (xrf2);
	v1 =	vadd.f32 v54, v1  }
0x122: {  	v3 =	vbroadcast v57, $0xF;
	v4 =	vnsel vm9, $0x0, v55  }
0x123: {  	(xrf2) =	vadd.scan.msk.f32 $0xffff, v56;
	v1 =	vadd.f32 v4, v1  }
0x124: {  	v59 =	vbroadcast v12, $0xF;
	v58 =	vnsel vm10, $0x0, v3  }
0x125: {  	v60, _, _ =	vpop (xrf2);
	v1 =	vadd.f32 v58, v1  }
0x126: {  	v2 =	vbroadcast v60, $0xF;
	v3 =	vnsel vm11, $0x0, v59  }
0x127: {  	v1 =	vadd.f32 v3, v1  }
0x128: {  	v0 =	vbroadcast v0, $0xF;
	v2 =	vnsel vm12, $0x0, v2  }
0x129: {  	v61, _, _ =	vpop (xrf2);
	v1 =	vadd.f32 v2, v1  }
0x12a: {  	v0 =	vnsel vm13, $0x0, v0;
	v2 =	vbroadcast v61, $0xF  }
0x12b: {  	v0 =	vadd.f32 v0, v1  }
0x12c: {  	v62 =	vnsel vm14, $0x0, v2  }
0x12d: {  	v63, _, _ =	vpop (xrf2);
	v0 =	vadd.f32 v62, v0  }
0x12e: {  	v1 =	vsel vm15, $0x0, v63  }
0x12f: {  	s28 =	sadd.s32 $0x1, s28;
	v0 =	vadd.f32 v1, v0  }
0x130: {  	p0 =	sne.s32 s28, s16  }
.Ltmp1:
0x131: {  	[tilespmem:s29+$0x8800] =	vst v0;
	(pc) =	sbr.rel @p0 .LBB2_1-.Ltmp1, $4  }
0x132: {  	[hbm4b:s15+s4] =	stream.linear.scatter [tilespmem:s26], [sflag:$0x2], $0x200, $0x38;
	[tilespmem:$0x8A00] =	vst v63  }
0x133: {  	_ =	swait.ge [sflag:s17], $0x200  }
0x134: {  	[sflag:s17] =	ssyncset.done $0x0  }
0x135: {  	[sflag:s17] =	ssyncadd.s32 $0xFFFFFE00  }
0x136: {  	_ =	sfence.sel $0x180000  }
0x137: {  	[bflag:$0x0] =	sbarrier.arrive $0xFFFF  }
0x138: {  	_ =	strace $0x90000047  }
0x139: {  	s0 =	stileid.u32;
	[bflag:$0x2] =	sbarrier.arrive $0xFFFF  }
0x13a: {  	p0 =	sne.s32 s0, $0x0;
	s0 =	rddreg [dreg:$0x6]  }
0x13b: {  	s0 =	sadd.s32 @!p0 $0x100000, s0  }
0x13c: {  	[sflag:s0] =	ssyncadd.tile.s32 @!p0 $0x1;
	_ =	shalt  }
.Lfunc_end2:
_tile_overlayer_lowered:
.L_overlay_start_2:
0x13d: {  	(tag) =	ssettag $0x2  }
0x13e: {  	s0 =	rddreg [dreg:$0x0];
	s2 =	stileid.u32  }
0x13f: {  	s1 =	rddreg [dreg:$0x1];
	p0 =	sne.s32 s2, $0x0  }
0x140: {  	s3 =	rddreg [dreg:$0x2];
	[bflag:$0x3] =	sbarrier.arrive $0xFFFF;
	s2 =	simm.s32 @!p0 $0x1C02  }
0x141: {  	[timem:s3], [sflag:s2] =	dma.local @!p0 [hbm:s0], s1  }
0x142: {  	s0 =	simm.s32 @!p0 $0x2  }
0x143: {  	_ =	swait.ge @!p0 [sflag:s0], s1  }
0x144: {  	s1 =	ssub.s32 @!p0 $0x0, s1;
	[sflag:s0] =	ssyncset.done @!p0 $0x0  }
0x145: {  	[sflag:s0] =	ssyncadd.s32 @!p0 s1  }
0x146: {  	[bflag:$0x3] =	sbarrier.arrive $0xFFFF  }
0x147: {  	_ =	shalt  }

</sc_bundles>
